<compile_context>
chip_gen: v7x
topology: tpu7x:2x2x1
jax: 0.10.2.dev20260603
libtpu: 0.0.44.dev20260713+nightly
codegen_flags: <defaults>
</compile_context>

<pallas_src>
import functools

import jax
import jax.numpy as jnp
from jax import lax
from jax.experimental import pallas as pl
from jax.experimental.pallas import tpu as pltpu
from jax.experimental.pallas import tpu_sc as plsc

DIM = 32
NC = 2
NS = 16
NW = NC * NS
K = 128
CH_ROWS = 10
C = CH_ROWS * K


def _make_gather(total, vocab, dim):
    b_per_w = total // NW
    n_idx_rows = b_per_w // K
    n_chunks = n_idx_rows // CH_ROWS

    mesh = plsc.VectorSubcoreMesh(core_axis_name="c", subcore_axis_name="s")

    @functools.partial(
        pl.kernel,
        mesh=mesh,
        out_type=jax.ShapeDtypeStruct((total, dim), jnp.float32),
        compiler_params=pltpu.CompilerParams(use_tc_tiling_on_sc=False),
        scratch_types=[
            pltpu.VMEM((b_per_w,), jnp.int32),
            pltpu.VMEM((C, dim), jnp.float32),
            pltpu.VMEM((C, dim), jnp.float32),
            pltpu.SemaphoreType.DMA,
            pltpu.SemaphoreType.DMA,
            pltpu.SemaphoreType.DMA,
            pltpu.SemaphoreType.DMA,
        ],
    )
    def gather_kernel(idx_hbm, table_hbm, out_hbm, idx_v, buf0, buf1,
                      gsem0, gsem1, osem0, osem1):
        wid = lax.axis_index("s") * NC + lax.axis_index("c")
        base = wid * b_per_w
        pltpu.sync_copy(idx_hbm.at[pl.ds(base, b_per_w)], idx_v)

        bufs = (buf0, buf1)
        gsems = (gsem0, gsem1)
        osems = (osem0, osem1)

        gathers = [None] * n_chunks
        writes = [None] * n_chunks

        def fire(c):
            buf, sem = bufs[c % 2], gsems[c % 2]
            cps = []
            for j in range(CH_ROWS):
                cps.append(
                    pltpu.async_copy(
                        table_hbm.at[idx_v.at[pl.ds((c * CH_ROWS + j) * K, K)]],
                        buf.at[pl.ds(j * K, K)],
                        sem,
                    )
                )
            gathers[c] = cps

        fire(0)
        for c in range(n_chunks):
            if c + 1 < n_chunks:
                nb = (c + 1) % 2
                if writes[nb] is not None:
                    writes[nb].wait()
                    writes[nb] = None
                fire(c + 1)
            for cp in gathers[c]:
                cp.wait()
            writes[c % 2] = pltpu.async_copy(
                bufs[c % 2],
                out_hbm.at[pl.ds(base + c * C, C)],
                osems[c % 2],
            )
        for w in writes:
            if w is not None:
                w.wait()

    return gather_kernel


def kernel(indices, row_splits, table):
    total = indices.shape[0]
    vocab, dim = table.shape
    return _make_gather(total, vocab, dim)(indices, table)

# --- scband reference (transcript-rebuilt; emitter-appended) ---
"""Pipeline reference for scband-global-embeddings-27152783245418 (READ-ONLY COPY).

The authoritative reference and input builder live on the scoring server;
editing this copy changes nothing except your own understanding.
"""

import jax, jax.numpy as jnp
import numpy as np

VOCAB = 1000000
DIM = 32
BATCH = 4096
HIST = 50
TOTAL = BATCH * HIST


def setup_inputs(seed: int = 0) -> dict:
    key = jax.random.key(seed)
    k1, k2 = jax.random.split(key, 2)
    # Learned parameter: the full keys-embedding table held by
    # global_embeddings_layer (LogitsFromEmbeddings.get_keys_embeddings()).
    table = jax.random.normal(k1, (VOCAB, DIM), dtype=jnp.float32) * 0.02
    # Flat values of the ragged global_context tensor (indices into table).
    indices = jax.random.randint(k2, (TOTAL,), 0, VOCAB, dtype=jnp.int32)
    # Row splits describing the ragged structure (uniform HIST per row here).
    row_splits = (jnp.arange(BATCH + 1, dtype=jnp.int32) * HIST)
    return {"indices": indices, "row_splits": row_splits, "table": table}


def reference(indices, row_splits, table):
    # dynamic_global_context=True path:
    #   all_embeddings = global_embeddings_layer.get_keys_embeddings()
    #   return global_context.with_values(tf.gather(all_embeddings, values))
    # The ragged row_splits are carried through unchanged; the compute is a
    # pure gather over the flat ragged values.
    values = jnp.take(table, indices, axis=0)  # [TOTAL, DIM]
    return values

if __name__ == "__main__":
    import jax
    _d = setup_inputs()
    print(jax.jit(kernel)(*tuple(_d.values())))

</pallas_src>

<mosaic_0001>
#map = affine_map<(d0, d1) -> (0)>
#map1 = affine_map<(d0, d1) -> (0, 0)>
module attributes {stable_mosaic.version = 14 : i64} {
  func.func @gather_kernel(%arg0: i32, %arg1: i32, %arg2: memref<204800xi32, #tpu.memory_space<hbm>>, %arg3: memref<1000000x32xf32, #tpu.memory_space<hbm>>, %arg4: memref<204800x32xf32, #tpu.memory_space<hbm>>, %arg5: memref<6400xi32, #tpu.memory_space<vmem>>, %arg6: memref<1280x32xf32, #tpu.memory_space<vmem>>, %arg7: memref<1280x32xf32, #tpu.memory_space<vmem>>, %arg8: memref<!tpu.dma_semaphore, #tpu.memory_space<semaphore_mem>>, %arg9: memref<!tpu.dma_semaphore, #tpu.memory_space<semaphore_mem>>, %arg10: memref<!tpu.dma_semaphore, #tpu.memory_space<semaphore_mem>>, %arg11: memref<!tpu.dma_semaphore, #tpu.memory_space<semaphore_mem>>) attributes {dimension_semantics = [#tpu.dimension_semantics<core_parallel>, #tpu.dimension_semantics<subcore_parallel>], iteration_bounds = array<i64: 2, 16>, scalar_prefetch = 0 : i64, scratch_operands = 7 : i64, tpu.core_type = #tpu.core_type<sc_vector_subcore>, window_params = [{transform_indices = #map}, {transform_indices = #map1}, {transform_indices = #map1}]} {
    %mul3A = arith.constant 2 : i32
    %mul3A_0 = arith.muli %arg1, %mul3A : i32
    %add3A = arith.addi %mul3A_0, %arg0 : i32
    %mul3A_1 = arith.constant 6400 : i32
    %mul3A_2 = arith.muli %add3A, %mul3A_1 : i32
    "tpu.region"() ({
      %run_scoped3A = tpu.sem_alloc : memref<!tpu.dma_semaphore, #tpu.memory_space<semaphore_mem>>
      %dma_start3A_851 = tpu.memref_slice %arg2[%mul3A_2] : memref<204800xi32, #tpu.memory_space<hbm>> -> memref<6400xi32, #tpu.memory_space<hbm>>
      %dma_start3A_852 = tpu.memref_slice %arg2[%mul3A_2] : memref<204800xi32, #tpu.memory_space<hbm>> -> memref<6400xi32, #tpu.memory_space<hbm>>
      tpu.enqueue_dma source(%dma_start3A_852 : memref<6400xi32, #tpu.memory_space<hbm>>) target(%arg5 : memref<6400xi32, #tpu.memory_space<vmem>>) target_semaphore(%run_scoped3A : memref<!tpu.dma_semaphore, #tpu.memory_space<semaphore_mem>>)
      %dma_wait3A_853 = tpu.memref_slice %arg2[%mul3A_2] : memref<204800xi32, #tpu.memory_space<hbm>> -> memref<6400xi32, #tpu.memory_space<hbm>>
      %dma_wait3A_854 = tpu.memref_slice %arg2[%mul3A_2] : memref<204800xi32, #tpu.memory_space<hbm>> -> memref<6400xi32, #tpu.memory_space<hbm>>
      tpu.wait_dma2 semaphore(%run_scoped3A : memref<!tpu.dma_semaphore, #tpu.memory_space<semaphore_mem>>) src(%dma_wait3A_854 : memref<6400xi32, #tpu.memory_space<hbm>>) dst(%arg5 : memref<6400xi32, #tpu.memory_space<vmem>>)
      tpu.yield
    }) : () -> ()
    %dma_start3A = arith.constant 0 : i32
    %dma_start3A_3 = arith.constant 0 : i32
    %dma_start3A_4 = tpu.memref_slice %arg6[%dma_start3A, %dma_start3A_3] : memref<1280x32xf32, #tpu.memory_space<vmem>> -> memref<128x32xf32, #tpu.memory_space<vmem>>
    %dma_start3A_5 = arith.constant 0 : i32
    %dma_start3A_6 = tpu.memref_slice %arg5[%dma_start3A_5] : memref<6400xi32, #tpu.memory_space<vmem>> -> memref<128xi32, #tpu.memory_space<vmem>>
    %dma_start3A_7 = arith.constant 0 : i32
    %dma_start3A_8 = arith.constant 0 : i32
    %dma_start3A_9 = tpu.memref_slice %arg3[%dma_start3A_7, %dma_start3A_8] : memref<1000000x32xf32, #tpu.memory_space<hbm>> -> memref<1000000x32xf32, #tpu.memory_space<hbm>>
    tpu.enqueue_indirect_dma source(%dma_start3A_9 : memref<1000000x32xf32, #tpu.memory_space<hbm>>) target(%dma_start3A_4 : memref<128x32xf32, #tpu.memory_space<vmem>>) offsets(%dma_start3A_6 : memref<128xi32, #tpu.memory_space<vmem>>) semaphore(%arg8 : memref<!tpu.dma_semaphore, #tpu.memory_space<semaphore_mem>>)
    %dma_start3A_10 = arith.constant 128 : i32
    %dma_start3A_11 = arith.constant 0 : i32
    %dma_start3A_12 = tpu.memref_slice %arg6[%dma_start3A_10, %dma_start3A_11] : memref<1280x32xf32, #tpu.memory_space<vmem>> -> memref<128x32xf32, #tpu.memory_space<vmem>>
    %dma_start3A_13 = arith.constant 128 : i32
    %dma_start3A_14 = tpu.memref_slice %arg5[%dma_start3A_13] : memref<6400xi32, #tpu.memory_space<vmem>> -> memref<128xi32, #tpu.memory_space<vmem>>
    %dma_start3A_15 = arith.constant 0 : i32
    %dma_start3A_16 = arith.constant 0 : i32
    %dma_start3A_17 = tpu.memref_slice %arg3[%dma_start3A_15, %dma_start3A_16] : memref<1000000x32xf32, #tpu.memory_space<hbm>> -> memref<1000000x32xf32, #tpu.memory_space<hbm>>
    tpu.enqueue_indirect_dma source(%dma_start3A_17 : memref<1000000x32xf32, #tpu.memory_space<hbm>>) target(%dma_start3A_12 : memref<128x32xf32, #tpu.memory_space<vmem>>) offsets(%dma_start3A_14 : memref<128xi32, #tpu.memory_space<vmem>>) semaphore(%arg8 : memref<!tpu.dma_semaphore, #tpu.memory_space<semaphore_mem>>)
    %dma_start3A_18 = arith.constant 256 : i32
    %dma_start3A_19 = arith.constant 0 : i32
    %dma_start3A_20 = tpu.memref_slice %arg6[%dma_start3A_18, %dma_start3A_19] : memref<1280x32xf32, #tpu.memory_space<vmem>> -> memref<128x32xf32, #tpu.memory_space<vmem>>
    %dma_start3A_21 = arith.constant 256 : i32
    %dma_start3A_22 = tpu.memref_slice %arg5[%dma_start3A_21] : memref<6400xi32, #tpu.memory_space<vmem>> -> memref<128xi32, #tpu.memory_space<vmem>>
    %dma_start3A_23 = arith.constant 0 : i32
    %dma_start3A_24 = arith.constant 0 : i32
    %dma_start3A_25 = tpu.memref_slice %arg3[%dma_start3A_23, %dma_start3A_24] : memref<1000000x32xf32, #tpu.memory_space<hbm>> -> memref<1000000x32xf32, #tpu.memory_space<hbm>>
    tpu.enqueue_indirect_dma source(%dma_start3A_25 : memref<1000000x32xf32, #tpu.memory_space<hbm>>) target(%dma_start3A_20 : memref<128x32xf32, #tpu.memory_space<vmem>>) offsets(%dma_start3A_22 : memref<128xi32, #tpu.memory_space<vmem>>) semaphore(%arg8 : memref<!tpu.dma_semaphore, #tpu.memory_space<semaphore_mem>>)
    %dma_start3A_26 = arith.constant 384 : i32
    %dma_start3A_27 = arith.constant 0 : i32
    %dma_start3A_28 = tpu.memref_slice %arg6[%dma_start3A_26, %dma_start3A_27] : memref<1280x32xf32, #tpu.memory_space<vmem>> -> memref<128x32xf32, #tpu.memory_space<vmem>>
    %dma_start3A_29 = arith.constant 384 : i32
    %dma_start3A_30 = tpu.memref_slice %arg5[%dma_start3A_29] : memref<6400xi32, #tpu.memory_space<vmem>> -> memref<128xi32, #tpu.memory_space<vmem>>
    %dma_start3A_31 = arith.constant 0 : i32
    %dma_start3A_32 = arith.constant 0 : i32
    %dma_start3A_33 = tpu.memref_slice %arg3[%dma_start3A_31, %dma_start3A_32] : memref<1000000x32xf32, #tpu.memory_space<hbm>> -> memref<1000000x32xf32, #tpu.memory_space<hbm>>
    tpu.enqueue_indirect_dma source(%dma_start3A_33 : memref<1000000x32xf32, #tpu.memory_space<hbm>>) target(%dma_start3A_28 : memref<128x32xf32, #tpu.memory_space<vmem>>) offsets(%dma_start3A_30 : memref<128xi32, #tpu.memory_space<vmem>>) semaphore(%arg8 : memref<!tpu.dma_semaphore, #tpu.memory_space<semaphore_mem>>)
    %dma_start3A_34 = arith.constant 512 : i32
    %dma_start3A_35 = arith.constant 0 : i32
    %dma_start3A_36 = tpu.memref_slice %arg6[%dma_start3A_34, %dma_start3A_35] : memref<1280x32xf32, #tpu.memory_space<vmem>> -> memref<128x32xf32, #tpu.memory_space<vmem>>
    %dma_start3A_37 = arith.constant 512 : i32
    %dma_start3A_38 = tpu.memref_slice %arg5[%dma_start3A_37] : memref<6400xi32, #tpu.memory_space<vmem>> -> memref<128xi32, #tpu.memory_space<vmem>>
    %dma_start3A_39 = arith.constant 0 : i32
    %dma_start3A_40 = arith.constant 0 : i32
    %dma_start3A_41 = tpu.memref_slice %arg3[%dma_start3A_39, %dma_start3A_40] : memref<1000000x32xf32, #tpu.memory_space<hbm>> -> memref<1000000x32xf32, #tpu.memory_space<hbm>>
    tpu.enqueue_indirect_dma source(%dma_start3A_41 : memref<1000000x32xf32, #tpu.memory_space<hbm>>) target(%dma_start3A_36 : memref<128x32xf32, #tpu.memory_space<vmem>>) offsets(%dma_start3A_38 : memref<128xi32, #tpu.memory_space<vmem>>) semaphore(%arg8 : memref<!tpu.dma_semaphore, #tpu.memory_space<semaphore_mem>>)
    %dma_start3A_42 = arith.constant 640 : i32
    %dma_start3A_43 = arith.constant 0 : i32
    %dma_start3A_44 = tpu.memref_slice %arg6[%dma_start3A_42, %dma_start3A_43] : memref<1280x32xf32, #tpu.memory_space<vmem>> -> memref<128x32xf32, #tpu.memory_space<vmem>>
    %dma_start3A_45 = arith.constant 640 : i32
    %dma_start3A_46 = tpu.memref_slice %arg5[%dma_start3A_45] : memref<6400xi32, #tpu.memory_space<vmem>> -> memref<128xi32, #tpu.memory_space<vmem>>
    %dma_start3A_47 = arith.constant 0 : i32
    %dma_start3A_48 = arith.constant 0 : i32
    %dma_start3A_49 = tpu.memref_slice %arg3[%dma_start3A_47, %dma_start3A_48] : memref<1000000x32xf32, #tpu.memory_space<hbm>> -> memref<1000000x32xf32, #tpu.memory_space<hbm>>
    tpu.enqueue_indirect_dma source(%dma_start3A_49 : memref<1000000x32xf32, #tpu.memory_space<hbm>>) target(%dma_start3A_44 : memref<128x32xf32, #tpu.memory_space<vmem>>) offsets(%dma_start3A_46 : memref<128xi32, #tpu.memory_space<vmem>>) semaphore(%arg8 : memref<!tpu.dma_semaphore, #tpu.memory_space<semaphore_mem>>)
    %dma_start3A_50 = arith.constant 768 : i32
    %dma_start3A_51 = arith.constant 0 : i32
    %dma_start3A_52 = tpu.memref_slice %arg6[%dma_start3A_50, %dma_start3A_51] : memref<1280x32xf32, #tpu.memory_space<vmem>> -> memref<128x32xf32, #tpu.memory_space<vmem>>
    %dma_start3A_53 = arith.constant 768 : i32
    %dma_start3A_54 = tpu.memref_slice %arg5[%dma_start3A_53] : memref<6400xi32, #tpu.memory_space<vmem>> -> memref<128xi32, #tpu.memory_space<vmem>>
    %dma_start3A_55 = arith.constant 0 : i32
    %dma_start3A_56 = arith.constant 0 : i32
    %dma_start3A_57 = tpu.memref_slice %arg3[%dma_start3A_55, %dma_start3A_56] : memref<1000000x32xf32, #tpu.memory_space<hbm>> -> memref<1000000x32xf32, #tpu.memory_space<hbm>>
    tpu.enqueue_indirect_dma source(%dma_start3A_57 : memref<1000000x32xf32, #tpu.memory_space<hbm>>) target(%dma_start3A_52 : memref<128x32xf32, #tpu.memory_space<vmem>>) offsets(%dma_start3A_54 : memref<128xi32, #tpu.memory_space<vmem>>) semaphore(%arg8 : memref<!tpu.dma_semaphore, #tpu.memory_space<semaphore_mem>>)
    %dma_start3A_58 = arith.constant 896 : i32
    %dma_start3A_59 = arith.constant 0 : i32
    %dma_start3A_60 = tpu.memref_slice %arg6[%dma_start3A_58, %dma_start3A_59] : memref<1280x32xf32, #tpu.memory_space<vmem>> -> memref<128x32xf32, #tpu.memory_space<vmem>>
    %dma_start3A_61 = arith.constant 896 : i32
    %dma_start3A_62 = tpu.memref_slice %arg5[%dma_start3A_61] : memref<6400xi32, #tpu.memory_space<vmem>> -> memref<128xi32, #tpu.memory_space<vmem>>
    %dma_start3A_63 = arith.constant 0 : i32
    %dma_start3A_64 = arith.constant 0 : i32
    %dma_start3A_65 = tpu.memref_slice %arg3[%dma_start3A_63, %dma_start3A_64] : memref<1000000x32xf32, #tpu.memory_space<hbm>> -> memref<1000000x32xf32, #tpu.memory_space<hbm>>
    tpu.enqueue_indirect_dma source(%dma_start3A_65 : memref<1000000x32xf32, #tpu.memory_space<hbm>>) target(%dma_start3A_60 : memref<128x32xf32, #tpu.memory_space<vmem>>) offsets(%dma_start3A_62 : memref<128xi32, #tpu.memory_space<vmem>>) semaphore(%arg8 : memref<!tpu.dma_semaphore, #tpu.memory_space<semaphore_mem>>)
    %dma_start3A_66 = arith.constant 1024 : i32
    %dma_start3A_67 = arith.constant 0 : i32
    %dma_start3A_68 = tpu.memref_slice %arg6[%dma_start3A_66, %dma_start3A_67] : memref<1280x32xf32, #tpu.memory_space<vmem>> -> memref<128x32xf32, #tpu.memory_space<vmem>>
    %dma_start3A_69 = arith.constant 1024 : i32
    %dma_start3A_70 = tpu.memref_slice %arg5[%dma_start3A_69] : memref<6400xi32, #tpu.memory_space<vmem>> -> memref<128xi32, #tpu.memory_space<vmem>>
    %dma_start3A_71 = arith.constant 0 : i32
    %dma_start3A_72 = arith.constant 0 : i32
    %dma_start3A_73 = tpu.memref_slice %arg3[%dma_start3A_71, %dma_start3A_72] : memref<1000000x32xf32, #tpu.memory_space<hbm>> -> memref<1000000x32xf32, #tpu.memory_space<hbm>>
    tpu.enqueue_indirect_dma source(%dma_start3A_73 : memref<1000000x32xf32, #tpu.memory_space<hbm>>) target(%dma_start3A_68 : memref<128x32xf32, #tpu.memory_space<vmem>>) offsets(%dma_start3A_70 : memref<128xi32, #tpu.memory_space<vmem>>) semaphore(%arg8 : memref<!tpu.dma_semaphore, #tpu.memory_space<semaphore_mem>>)
    %dma_start3A_74 = arith.constant 1152 : i32
    %dma_start3A_75 = arith.constant 0 : i32
    %dma_start3A_76 = tpu.memref_slice %arg6[%dma_start3A_74, %dma_start3A_75] : memref<1280x32xf32, #tpu.memory_space<vmem>> -> memref<128x32xf32, #tpu.memory_space<vmem>>
    %dma_start3A_77 = arith.constant 1152 : i32
    %dma_start3A_78 = tpu.memref_slice %arg5[%dma_start3A_77] : memref<6400xi32, #tpu.memory_space<vmem>> -> memref<128xi32, #tpu.memory_space<vmem>>
    %dma_start3A_79 = arith.constant 0 : i32
    %dma_start3A_80 = arith.constant 0 : i32
    %dma_start3A_81 = tpu.memref_slice %arg3[%dma_start3A_79, %dma_start3A_80] : memref<1000000x32xf32, #tpu.memory_space<hbm>> -> memref<1000000x32xf32, #tpu.memory_space<hbm>>
    tpu.enqueue_indirect_dma source(%dma_start3A_81 : memref<1000000x32xf32, #tpu.memory_space<hbm>>) target(%dma_start3A_76 : memref<128x32xf32, #tpu.memory_space<vmem>>) offsets(%dma_start3A_78 : memref<128xi32, #tpu.memory_space<vmem>>) semaphore(%arg8 : memref<!tpu.dma_semaphore, #tpu.memory_space<semaphore_mem>>)
    %dma_start3A_82 = arith.constant 0 : i32
    %dma_start3A_83 = arith.constant 0 : i32
    %dma_start3A_84 = tpu.memref_slice %arg7[%dma_start3A_82, %dma_start3A_83] : memref<1280x32xf32, #tpu.memory_space<vmem>> -> memref<128x32xf32, #tpu.memory_space<vmem>>
    %dma_start3A_85 = arith.constant 1280 : i32
    %dma_start3A_86 = tpu.memref_slice %arg5[%dma_start3A_85] : memref<6400xi32, #tpu.memory_space<vmem>> -> memref<128xi32, #tpu.memory_space<vmem>>
    %dma_start3A_87 = arith.constant 0 : i32
    %dma_start3A_88 = arith.constant 0 : i32
    %dma_start3A_89 = tpu.memref_slice %arg3[%dma_start3A_87, %dma_start3A_88] : memref<1000000x32xf32, #tpu.memory_space<hbm>> -> memref<1000000x32xf32, #tpu.memory_space<hbm>>
    tpu.enqueue_indirect_dma source(%dma_start3A_89 : memref<1000000x32xf32, #tpu.memory_space<hbm>>) target(%dma_start3A_84 : memref<128x32xf32, #tpu.memory_space<vmem>>) offsets(%dma_start3A_86 : memref<128xi32, #tpu.memory_space<vmem>>) semaphore(%arg9 : memref<!tpu.dma_semaphore, #tpu.memory_space<semaphore_mem>>)
    %dma_start3A_90 = arith.constant 128 : i32
    %dma_start3A_91 = arith.constant 0 : i32
    %dma_start3A_92 = tpu.memref_slice %arg7[%dma_start3A_90, %dma_start3A_91] : memref<1280x32xf32, #tpu.memory_space<vmem>> -> memref<128x32xf32, #tpu.memory_space<vmem>>
    %dma_start3A_93 = arith.constant 1408 : i32
    %dma_start3A_94 = tpu.memref_slice %arg5[%dma_start3A_93] : memref<6400xi32, #tpu.memory_space<vmem>> -> memref<128xi32, #tpu.memory_space<vmem>>
    %dma_start3A_95 = arith.constant 0 : i32
    %dma_start3A_96 = arith.constant 0 : i32
    %dma_start3A_97 = tpu.memref_slice %arg3[%dma_start3A_95, %dma_start3A_96] : memref<1000000x32xf32, #tpu.memory_space<hbm>> -> memref<1000000x32xf32, #tpu.memory_space<hbm>>
    tpu.enqueue_indirect_dma source(%dma_start3A_97 : memref<1000000x32xf32, #tpu.memory_space<hbm>>) target(%dma_start3A_92 : memref<128x32xf32, #tpu.memory_space<vmem>>) offsets(%dma_start3A_94 : memref<128xi32, #tpu.memory_space<vmem>>) semaphore(%arg9 : memref<!tpu.dma_semaphore, #tpu.memory_space<semaphore_mem>>)
    %dma_start3A_98 = arith.constant 256 : i32
    %dma_start3A_99 = arith.constant 0 : i32
    %dma_start3A_100 = tpu.memref_slice %arg7[%dma_start3A_98, %dma_start3A_99] : memref<1280x32xf32, #tpu.memory_space<vmem>> -> memref<128x32xf32, #tpu.memory_space<vmem>>
    %dma_start3A_101 = arith.constant 1536 : i32
    %dma_start3A_102 = tpu.memref_slice %arg5[%dma_start3A_101] : memref<6400xi32, #tpu.memory_space<vmem>> -> memref<128xi32, #tpu.memory_space<vmem>>
    %dma_start3A_103 = arith.constant 0 : i32
    %dma_start3A_104 = arith.constant 0 : i32
    %dma_start3A_105 = tpu.memref_slice %arg3[%dma_start3A_103, %dma_start3A_104] : memref<1000000x32xf32, #tpu.memory_space<hbm>> -> memref<1000000x32xf32, #tpu.memory_space<hbm>>
    tpu.enqueue_indirect_dma source(%dma_start3A_105 : memref<1000000x32xf32, #tpu.memory_space<hbm>>) target(%dma_start3A_100 : memref<128x32xf32, #tpu.memory_space<vmem>>) offsets(%dma_start3A_102 : memref<128xi32, #tpu.memory_space<vmem>>) semaphore(%arg9 : memref<!tpu.dma_semaphore, #tpu.memory_space<semaphore_mem>>)
    %dma_start3A_106 = arith.constant 384 : i32
    %dma_start3A_107 = arith.constant 0 : i32
    %dma_start3A_108 = tpu.memref_slice %arg7[%dma_start3A_106, %dma_start3A_107] : memref<1280x32xf32, #tpu.memory_space<vmem>> -> memref<128x32xf32, #tpu.memory_space<vmem>>
    %dma_start3A_109 = arith.constant 1664 : i32
    %dma_start3A_110 = tpu.memref_slice %arg5[%dma_start3A_109] : memref<6400xi32, #tpu.memory_space<vmem>> -> memref<128xi32, #tpu.memory_space<vmem>>
    %dma_start3A_111 = arith.constant 0 : i32
    %dma_start3A_112 = arith.constant 0 : i32
    %dma_start3A_113 = tpu.memref_slice %arg3[%dma_start3A_111, %dma_start3A_112] : memref<1000000x32xf32, #tpu.memory_space<hbm>> -> memref<1000000x32xf32, #tpu.memory_space<hbm>>
    tpu.enqueue_indirect_dma source(%dma_start3A_113 : memref<1000000x32xf32, #tpu.memory_space<hbm>>) target(%dma_start3A_108 : memref<128x32xf32, #tpu.memory_space<vmem>>) offsets(%dma_start3A_110 : memref<128xi32, #tpu.memory_space<vmem>>) semaphore(%arg9 : memref<!tpu.dma_semaphore, #tpu.memory_space<semaphore_mem>>)
    %dma_start3A_114 = arith.constant 512 : i32
    %dma_start3A_115 = arith.constant 0 : i32
    %dma_start3A_116 = tpu.memref_slice %arg7[%dma_start3A_114, %dma_start3A_115] : memref<1280x32xf32, #tpu.memory_space<vmem>> -> memref<128x32xf32, #tpu.memory_space<vmem>>
    %dma_start3A_117 = arith.constant 1792 : i32
    %dma_start3A_118 = tpu.memref_slice %arg5[%dma_start3A_117] : memref<6400xi32, #tpu.memory_space<vmem>> -> memref<128xi32, #tpu.memory_space<vmem>>
    %dma_start3A_119 = arith.constant 0 : i32
    %dma_start3A_120 = arith.constant 0 : i32
    %dma_start3A_121 = tpu.memref_slice %arg3[%dma_start3A_119, %dma_start3A_120] : memref<1000000x32xf32, #tpu.memory_space<hbm>> -> memref<1000000x32xf32, #tpu.memory_space<hbm>>
    tpu.enqueue_indirect_dma source(%dma_start3A_121 : memref<1000000x32xf32, #tpu.memory_space<hbm>>) target(%dma_start3A_116 : memref<128x32xf32, #tpu.memory_space<vmem>>) offsets(%dma_start3A_118 : memref<128xi32, #tpu.memory_space<vmem>>) semaphore(%arg9 : memref<!tpu.dma_semaphore, #tpu.memory_space<semaphore_mem>>)
    %dma_start3A_122 = arith.constant 640 : i32
    %dma_start3A_123 = arith.constant 0 : i32
    %dma_start3A_124 = tpu.memref_slice %arg7[%dma_start3A_122, %dma_start3A_123] : memref<1280x32xf32, #tpu.memory_space<vmem>> -> memref<128x32xf32, #tpu.memory_space<vmem>>
    %dma_start3A_125 = arith.constant 1920 : i32
    %dma_start3A_126 = tpu.memref_slice %arg5[%dma_start3A_125] : memref<6400xi32, #tpu.memory_space<vmem>> -> memref<128xi32, #tpu.memory_space<vmem>>
    %dma_start3A_127 = arith.constant 0 : i32
    %dma_start3A_128 = arith.constant 0 : i32
    %dma_start3A_129 = tpu.memref_slice %arg3[%dma_start3A_127, %dma_start3A_128] : memref<1000000x32xf32, #tpu.memory_space<hbm>> -> memref<1000000x32xf32, #tpu.memory_space<hbm>>
    tpu.enqueue_indirect_dma source(%dma_start3A_129 : memref<1000000x32xf32, #tpu.memory_space<hbm>>) target(%dma_start3A_124 : memref<128x32xf32, #tpu.memory_space<vmem>>) offsets(%dma_start3A_126 : memref<128xi32, #tpu.memory_space<vmem>>) semaphore(%arg9 : memref<!tpu.dma_semaphore, #tpu.memory_space<semaphore_mem>>)
    %dma_start3A_130 = arith.constant 768 : i32
    %dma_start3A_131 = arith.constant 0 : i32
    %dma_start3A_132 = tpu.memref_slice %arg7[%dma_start3A_130, %dma_start3A_131] : memref<1280x32xf32, #tpu.memory_space<vmem>> -> memref<128x32xf32, #tpu.memory_space<vmem>>
    %dma_start3A_133 = arith.constant 2048 : i32
    %dma_start3A_134 = tpu.memref_slice %arg5[%dma_start3A_133] : memref<6400xi32, #tpu.memory_space<vmem>> -> memref<128xi32, #tpu.memory_space<vmem>>
    %dma_start3A_135 = arith.constant 0 : i32
    %dma_start3A_136 = arith.constant 0 : i32
    %dma_start3A_137 = tpu.memref_slice %arg3[%dma_start3A_135, %dma_start3A_136] : memref<1000000x32xf32, #tpu.memory_space<hbm>> -> memref<1000000x32xf32, #tpu.memory_space<hbm>>
    tpu.enqueue_indirect_dma source(%dma_start3A_137 : memref<1000000x32xf32, #tpu.memory_space<hbm>>) target(%dma_start3A_132 : memref<128x32xf32, #tpu.memory_space<vmem>>) offsets(%dma_start3A_134 : memref<128xi32, #tpu.memory_space<vmem>>) semaphore(%arg9 : memref<!tpu.dma_semaphore, #tpu.memory_space<semaphore_mem>>)
    %dma_start3A_138 = arith.constant 896 : i32
    %dma_start3A_139 = arith.constant 0 : i32
    %dma_start3A_140 = tpu.memref_slice %arg7[%dma_start3A_138, %dma_start3A_139] : memref<1280x32xf32, #tpu.memory_space<vmem>> -> memref<128x32xf32, #tpu.memory_space<vmem>>
    %dma_start3A_141 = arith.constant 2176 : i32
    %dma_start3A_142 = tpu.memref_slice %arg5[%dma_start3A_141] : memref<6400xi32, #tpu.memory_space<vmem>> -> memref<128xi32, #tpu.memory_space<vmem>>
    %dma_start3A_143 = arith.constant 0 : i32
    %dma_start3A_144 = arith.constant 0 : i32
    %dma_start3A_145 = tpu.memref_slice %arg3[%dma_start3A_143, %dma_start3A_144] : memref<1000000x32xf32, #tpu.memory_space<hbm>> -> memref<1000000x32xf32, #tpu.memory_space<hbm>>
    tpu.enqueue_indirect_dma source(%dma_start3A_145 : memref<1000000x32xf32, #tpu.memory_space<hbm>>) target(%dma_start3A_140 : memref<128x32xf32, #tpu.memory_space<vmem>>) offsets(%dma_start3A_142 : memref<128xi32, #tpu.memory_space<vmem>>) semaphore(%arg9 : memref<!tpu.dma_semaphore, #tpu.memory_space<semaphore_mem>>)
    %dma_start3A_146 = arith.constant 1024 : i32
    %dma_start3A_147 = arith.constant 0 : i32
    %dma_start3A_148 = tpu.memref_slice %arg7[%dma_start3A_146, %dma_start3A_147] : memref<1280x32xf32, #tpu.memory_space<vmem>> -> memref<128x32xf32, #tpu.memory_space<vmem>>
    %dma_start3A_149 = arith.constant 2304 : i32
    %dma_start3A_150 = tpu.memref_slice %arg5[%dma_start3A_149] : memref<6400xi32, #tpu.memory_space<vmem>> -> memref<128xi32, #tpu.memory_space<vmem>>
    %dma_start3A_151 = arith.constant 0 : i32
    %dma_start3A_152 = arith.constant 0 : i32
    %dma_start3A_153 = tpu.memref_slice %arg3[%dma_start3A_151, %dma_start3A_152] : memref<1000000x32xf32, #tpu.memory_space<hbm>> -> memref<1000000x32xf32, #tpu.memory_space<hbm>>
    tpu.enqueue_indirect_dma source(%dma_start3A_153 : memref<1000000x32xf32, #tpu.memory_space<hbm>>) target(%dma_start3A_148 : memref<128x32xf32, #tpu.memory_space<vmem>>) offsets(%dma_start3A_150 : memref<128xi32, #tpu.memory_space<vmem>>) semaphore(%arg9 : memref<!tpu.dma_semaphore, #tpu.memory_space<semaphore_mem>>)
    %dma_start3A_154 = arith.constant 1152 : i32
    %dma_start3A_155 = arith.constant 0 : i32
    %dma_start3A_156 = tpu.memref_slice %arg7[%dma_start3A_154, %dma_start3A_155] : memref<1280x32xf32, #tpu.memory_space<vmem>> -> memref<128x32xf32, #tpu.memory_space<vmem>>
    %dma_start3A_157 = arith.constant 2432 : i32
    %dma_start3A_158 = tpu.memref_slice %arg5[%dma_start3A_157] : memref<6400xi32, #tpu.memory_space<vmem>> -> memref<128xi32, #tpu.memory_space<vmem>>
    %dma_start3A_159 = arith.constant 0 : i32
    %dma_start3A_160 = arith.constant 0 : i32
    %dma_start3A_161 = tpu.memref_slice %arg3[%dma_start3A_159, %dma_start3A_160] : memref<1000000x32xf32, #tpu.memory_space<hbm>> -> memref<1000000x32xf32, #tpu.memory_space<hbm>>
    tpu.enqueue_indirect_dma source(%dma_start3A_161 : memref<1000000x32xf32, #tpu.memory_space<hbm>>) target(%dma_start3A_156 : memref<128x32xf32, #tpu.memory_space<vmem>>) offsets(%dma_start3A_158 : memref<128xi32, #tpu.memory_space<vmem>>) semaphore(%arg9 : memref<!tpu.dma_semaphore, #tpu.memory_space<semaphore_mem>>)
    %dma_wait3A = arith.constant 0 : i32
    %dma_wait3A_162 = arith.constant 0 : i32
    %dma_wait3A_163 = tpu.memref_slice %arg6[%dma_wait3A, %dma_wait3A_162] : memref<1280x32xf32, #tpu.memory_space<vmem>> -> memref<128x32xf32, #tpu.memory_space<vmem>>
    %dma_wait3A_164 = arith.constant 0 : i32
    %dma_wait3A_165 = tpu.memref_slice %arg5[%dma_wait3A_164] : memref<6400xi32, #tpu.memory_space<vmem>> -> memref<128xi32, #tpu.memory_space<vmem>>
    %dma_wait3A_166 = arith.constant 0 : i32
    %dma_wait3A_167 = arith.constant 0 : i32
    %dma_wait3A_168 = tpu.memref_slice %arg3[%dma_wait3A_166, %dma_wait3A_167] : memref<1000000x32xf32, #tpu.memory_space<hbm>> -> memref<1000000x32xf32, #tpu.memory_space<hbm>>
    tpu.wait_indirect_dma semaphore(%arg8 : memref<!tpu.dma_semaphore, #tpu.memory_space<semaphore_mem>>) src(%dma_wait3A_168 : memref<1000000x32xf32, #tpu.memory_space<hbm>>) dst(%dma_wait3A_163 : memref<128x32xf32, #tpu.memory_space<vmem>>)
    %dma_wait3A_169 = arith.constant 128 : i32
    %dma_wait3A_170 = arith.constant 0 : i32
    %dma_wait3A_171 = tpu.memref_slice %arg6[%dma_wait3A_169, %dma_wait3A_170] : memref<1280x32xf32, #tpu.memory_space<vmem>> -> memref<128x32xf32, #tpu.memory_space<vmem>>
    %dma_wait3A_172 = arith.constant 128 : i32
    %dma_wait3A_173 = tpu.memref_slice %arg5[%dma_wait3A_172] : memref<6400xi32, #tpu.memory_space<vmem>> -> memref<128xi32, #tpu.memory_space<vmem>>
    %dma_wait3A_174 = arith.constant 0 : i32
    %dma_wait3A_175 = arith.constant 0 : i32
    %dma_wait3A_176 = tpu.memref_slice %arg3[%dma_wait3A_174, %dma_wait3A_175] : memref<1000000x32xf32, #tpu.memory_space<hbm>> -> memref<1000000x32xf32, #tpu.memory_space<hbm>>
    tpu.wait_indirect_dma semaphore(%arg8 : memref<!tpu.dma_semaphore, #tpu.memory_space<semaphore_mem>>) src(%dma_wait3A_176 : memref<1000000x32xf32, #tpu.memory_space<hbm>>) dst(%dma_wait3A_171 : memref<128x32xf32, #tpu.memory_space<vmem>>)
    %dma_wait3A_177 = arith.constant 256 : i32
    %dma_wait3A_178 = arith.constant 0 : i32
    %dma_wait3A_179 = tpu.memref_slice %arg6[%dma_wait3A_177, %dma_wait3A_178] : memref<1280x32xf32, #tpu.memory_space<vmem>> -> memref<128x32xf32, #tpu.memory_space<vmem>>
    %dma_wait3A_180 = arith.constant 256 : i32
    %dma_wait3A_181 = tpu.memref_slice %arg5[%dma_wait3A_180] : memref<6400xi32, #tpu.memory_space<vmem>> -> memref<128xi32, #tpu.memory_space<vmem>>
    %dma_wait3A_182 = arith.constant 0 : i32
    %dma_wait3A_183 = arith.constant 0 : i32
    %dma_wait3A_184 = tpu.memref_slice %arg3[%dma_wait3A_182, %dma_wait3A_183] : memref<1000000x32xf32, #tpu.memory_space<hbm>> -> memref<1000000x32xf32, #tpu.memory_space<hbm>>
    tpu.wait_indirect_dma semaphore(%arg8 : memref<!tpu.dma_semaphore, #tpu.memory_space<semaphore_mem>>) src(%dma_wait3A_184 : memref<1000000x32xf32, #tpu.memory_space<hbm>>) dst(%dma_wait3A_179 : memref<128x32xf32, #tpu.memory_space<vmem>>)
    %dma_wait3A_185 = arith.constant 384 : i32
    %dma_wait3A_186 = arith.constant 0 : i32
    %dma_wait3A_187 = tpu.memref_slice %arg6[%dma_wait3A_185, %dma_wait3A_186] : memref<1280x32xf32, #tpu.memory_space<vmem>> -> memref<128x32xf32, #tpu.memory_space<vmem>>
    %dma_wait3A_188 = arith.constant 384 : i32
    %dma_wait3A_189 = tpu.memref_slice %arg5[%dma_wait3A_188] : memref<6400xi32, #tpu.memory_space<vmem>> -> memref<128xi32, #tpu.memory_space<vmem>>
    %dma_wait3A_190 = arith.constant 0 : i32
    %dma_wait3A_191 = arith.constant 0 : i32
    %dma_wait3A_192 = tpu.memref_slice %arg3[%dma_wait3A_190, %dma_wait3A_191] : memref<1000000x32xf32, #tpu.memory_space<hbm>> -> memref<1000000x32xf32, #tpu.memory_space<hbm>>
    tpu.wait_indirect_dma semaphore(%arg8 : memref<!tpu.dma_semaphore, #tpu.memory_space<semaphore_mem>>) src(%dma_wait3A_192 : memref<1000000x32xf32, #tpu.memory_space<hbm>>) dst(%dma_wait3A_187 : memref<128x32xf32, #tpu.memory_space<vmem>>)
    %dma_wait3A_193 = arith.constant 512 : i32
    %dma_wait3A_194 = arith.constant 0 : i32
    %dma_wait3A_195 = tpu.memref_slice %arg6[%dma_wait3A_193, %dma_wait3A_194] : memref<1280x32xf32, #tpu.memory_space<vmem>> -> memref<128x32xf32, #tpu.memory_space<vmem>>
    %dma_wait3A_196 = arith.constant 512 : i32
    %dma_wait3A_197 = tpu.memref_slice %arg5[%dma_wait3A_196] : memref<6400xi32, #tpu.memory_space<vmem>> -> memref<128xi32, #tpu.memory_space<vmem>>
    %dma_wait3A_198 = arith.constant 0 : i32
    %dma_wait3A_199 = arith.constant 0 : i32
    %dma_wait3A_200 = tpu.memref_slice %arg3[%dma_wait3A_198, %dma_wait3A_199] : memref<1000000x32xf32, #tpu.memory_space<hbm>> -> memref<1000000x32xf32, #tpu.memory_space<hbm>>
    tpu.wait_indirect_dma semaphore(%arg8 : memref<!tpu.dma_semaphore, #tpu.memory_space<semaphore_mem>>) src(%dma_wait3A_200 : memref<1000000x32xf32, #tpu.memory_space<hbm>>) dst(%dma_wait3A_195 : memref<128x32xf32, #tpu.memory_space<vmem>>)
    %dma_wait3A_201 = arith.constant 640 : i32
    %dma_wait3A_202 = arith.constant 0 : i32
    %dma_wait3A_203 = tpu.memref_slice %arg6[%dma_wait3A_201, %dma_wait3A_202] : memref<1280x32xf32, #tpu.memory_space<vmem>> -> memref<128x32xf32, #tpu.memory_space<vmem>>
    %dma_wait3A_204 = arith.constant 640 : i32
    %dma_wait3A_205 = tpu.memref_slice %arg5[%dma_wait3A_204] : memref<6400xi32, #tpu.memory_space<vmem>> -> memref<128xi32, #tpu.memory_space<vmem>>
    %dma_wait3A_206 = arith.constant 0 : i32
    %dma_wait3A_207 = arith.constant 0 : i32
    %dma_wait3A_208 = tpu.memref_slice %arg3[%dma_wait3A_206, %dma_wait3A_207] : memref<1000000x32xf32, #tpu.memory_space<hbm>> -> memref<1000000x32xf32, #tpu.memory_space<hbm>>
    tpu.wait_indirect_dma semaphore(%arg8 : memref<!tpu.dma_semaphore, #tpu.memory_space<semaphore_mem>>) src(%dma_wait3A_208 : memref<1000000x32xf32, #tpu.memory_space<hbm>>) dst(%dma_wait3A_203 : memref<128x32xf32, #tpu.memory_space<vmem>>)
    %dma_wait3A_209 = arith.constant 768 : i32
    %dma_wait3A_210 = arith.constant 0 : i32
    %dma_wait3A_211 = tpu.memref_slice %arg6[%dma_wait3A_209, %dma_wait3A_210] : memref<1280x32xf32, #tpu.memory_space<vmem>> -> memref<128x32xf32, #tpu.memory_space<vmem>>
    %dma_wait3A_212 = arith.constant 768 : i32
    %dma_wait3A_213 = tpu.memref_slice %arg5[%dma_wait3A_212] : memref<6400xi32, #tpu.memory_space<vmem>> -> memref<128xi32, #tpu.memory_space<vmem>>
    %dma_wait3A_214 = arith.constant 0 : i32
    %dma_wait3A_215 = arith.constant 0 : i32
    %dma_wait3A_216 = tpu.memref_slice %arg3[%dma_wait3A_214, %dma_wait3A_215] : memref<1000000x32xf32, #tpu.memory_space<hbm>> -> memref<1000000x32xf32, #tpu.memory_space<hbm>>
    tpu.wait_indirect_dma semaphore(%arg8 : memref<!tpu.dma_semaphore, #tpu.memory_space<semaphore_mem>>) src(%dma_wait3A_216 : memref<1000000x32xf32, #tpu.memory_space<hbm>>) dst(%dma_wait3A_211 : memref<128x32xf32, #tpu.memory_space<vmem>>)
    %dma_wait3A_217 = arith.constant 896 : i32
    %dma_wait3A_218 = arith.constant 0 : i32
    %dma_wait3A_219 = tpu.memref_slice %arg6[%dma_wait3A_217, %dma_wait3A_218] : memref<1280x32xf32, #tpu.memory_space<vmem>> -> memref<128x32xf32, #tpu.memory_space<vmem>>
    %dma_wait3A_220 = arith.constant 896 : i32
    %dma_wait3A_221 = tpu.memref_slice %arg5[%dma_wait3A_220] : memref<6400xi32, #tpu.memory_space<vmem>> -> memref<128xi32, #tpu.memory_space<vmem>>
    %dma_wait3A_222 = arith.constant 0 : i32
    %dma_wait3A_223 = arith.constant 0 : i32
    %dma_wait3A_224 = tpu.memref_slice %arg3[%dma_wait3A_222, %dma_wait3A_223] : memref<1000000x32xf32, #tpu.memory_space<hbm>> -> memref<1000000x32xf32, #tpu.memory_space<hbm>>
    tpu.wait_indirect_dma semaphore(%arg8 : memref<!tpu.dma_semaphore, #tpu.memory_space<semaphore_mem>>) src(%dma_wait3A_224 : memref<1000000x32xf32, #tpu.memory_space<hbm>>) dst(%dma_wait3A_219 : memref<128x32xf32, #tpu.memory_space<vmem>>)
    %dma_wait3A_225 = arith.constant 1024 : i32
    %dma_wait3A_226 = arith.constant 0 : i32
    %dma_wait3A_227 = tpu.memref_slice %arg6[%dma_wait3A_225, %dma_wait3A_226] : memref<1280x32xf32, #tpu.memory_space<vmem>> -> memref<128x32xf32, #tpu.memory_space<vmem>>
    %dma_wait3A_228 = arith.constant 1024 : i32
    %dma_wait3A_229 = tpu.memref_slice %arg5[%dma_wait3A_228] : memref<6400xi32, #tpu.memory_space<vmem>> -> memref<128xi32, #tpu.memory_space<vmem>>
    %dma_wait3A_230 = arith.constant 0 : i32
    %dma_wait3A_231 = arith.constant 0 : i32
    %dma_wait3A_232 = tpu.memref_slice %arg3[%dma_wait3A_230, %dma_wait3A_231] : memref<1000000x32xf32, #tpu.memory_space<hbm>> -> memref<1000000x32xf32, #tpu.memory_space<hbm>>
    tpu.wait_indirect_dma semaphore(%arg8 : memref<!tpu.dma_semaphore, #tpu.memory_space<semaphore_mem>>) src(%dma_wait3A_232 : memref<1000000x32xf32, #tpu.memory_space<hbm>>) dst(%dma_wait3A_227 : memref<128x32xf32, #tpu.memory_space<vmem>>)
    %dma_wait3A_233 = arith.constant 1152 : i32
    %dma_wait3A_234 = arith.constant 0 : i32
    %dma_wait3A_235 = tpu.memref_slice %arg6[%dma_wait3A_233, %dma_wait3A_234] : memref<1280x32xf32, #tpu.memory_space<vmem>> -> memref<128x32xf32, #tpu.memory_space<vmem>>
    %dma_wait3A_236 = arith.constant 1152 : i32
    %dma_wait3A_237 = tpu.memref_slice %arg5[%dma_wait3A_236] : memref<6400xi32, #tpu.memory_space<vmem>> -> memref<128xi32, #tpu.memory_space<vmem>>
    %dma_wait3A_238 = arith.constant 0 : i32
    %dma_wait3A_239 = arith.constant 0 : i32
    %dma_wait3A_240 = tpu.memref_slice %arg3[%dma_wait3A_238, %dma_wait3A_239] : memref<1000000x32xf32, #tpu.memory_space<hbm>> -> memref<1000000x32xf32, #tpu.memory_space<hbm>>
    tpu.wait_indirect_dma semaphore(%arg8 : memref<!tpu.dma_semaphore, #tpu.memory_space<semaphore_mem>>) src(%dma_wait3A_240 : memref<1000000x32xf32, #tpu.memory_space<hbm>>) dst(%dma_wait3A_235 : memref<128x32xf32, #tpu.memory_space<vmem>>)
    %add3A_241 = arith.constant 0 : i32
    %add3A_242 = arith.addi %mul3A_2, %add3A_241 : i32
    %dma_start3A_243 = arith.constant 0 : i32
    %dma_start3A_244 = tpu.memref_slice %arg4[%add3A_242, %dma_start3A_243] : memref<204800x32xf32, #tpu.memory_space<hbm>> -> memref<1280x32xf32, #tpu.memory_space<hbm>>
    %dma_start3A_245 = arith.constant 0 : i32
    %dma_start3A_246 = tpu.memref_slice %arg4[%add3A_242, %dma_start3A_245] : memref<204800x32xf32, #tpu.memory_space<hbm>> -> memref<1280x32xf32, #tpu.memory_space<hbm>>
    tpu.enqueue_dma source(%arg6 : memref<1280x32xf32, #tpu.memory_space<vmem>>) target(%dma_start3A_246 : memref<1280x32xf32, #tpu.memory_space<hbm>>) target_semaphore(%arg10 : memref<!tpu.dma_semaphore, #tpu.memory_space<semaphore_mem>>)
    %dma_wait3A_247 = arith.constant 0 : i32
    %dma_wait3A_248 = tpu.memref_slice %arg4[%add3A_242, %dma_wait3A_247] : memref<204800x32xf32, #tpu.memory_space<hbm>> -> memref<1280x32xf32, #tpu.memory_space<hbm>>
    %dma_wait3A_249 = arith.constant 0 : i32
    %dma_wait3A_250 = tpu.memref_slice %arg4[%add3A_242, %dma_wait3A_249] : memref<204800x32xf32, #tpu.memory_space<hbm>> -> memref<1280x32xf32, #tpu.memory_space<hbm>>
    tpu.wait_dma2 semaphore(%arg10 : memref<!tpu.dma_semaphore, #tpu.memory_space<semaphore_mem>>) src(%arg6 : memref<1280x32xf32, #tpu.memory_space<vmem>>) dst(%dma_wait3A_250 : memref<1280x32xf32, #tpu.memory_space<hbm>>)
    %dma_start3A_251 = arith.constant 0 : i32
    %dma_start3A_252 = arith.constant 0 : i32
    %dma_start3A_253 = tpu.memref_slice %arg6[%dma_start3A_251, %dma_start3A_252] : memref<1280x32xf32, #tpu.memory_space<vmem>> -> memref<128x32xf32, #tpu.memory_space<vmem>>
    %dma_start3A_254 = arith.constant 2560 : i32
    %dma_start3A_255 = tpu.memref_slice %arg5[%dma_start3A_254] : memref<6400xi32, #tpu.memory_space<vmem>> -> memref<128xi32, #tpu.memory_space<vmem>>
    %dma_start3A_256 = arith.constant 0 : i32
    %dma_start3A_257 = arith.constant 0 : i32
    %dma_start3A_258 = tpu.memref_slice %arg3[%dma_start3A_256, %dma_start3A_257] : memref<1000000x32xf32, #tpu.memory_space<hbm>> -> memref<1000000x32xf32, #tpu.memory_space<hbm>>
    tpu.enqueue_indirect_dma source(%dma_start3A_258 : memref<1000000x32xf32, #tpu.memory_space<hbm>>) target(%dma_start3A_253 : memref<128x32xf32, #tpu.memory_space<vmem>>) offsets(%dma_start3A_255 : memref<128xi32, #tpu.memory_space<vmem>>) semaphore(%arg8 : memref<!tpu.dma_semaphore, #tpu.memory_space<semaphore_mem>>)
    %dma_start3A_259 = arith.constant 128 : i32
    %dma_start3A_260 = arith.constant 0 : i32
    %dma_start3A_261 = tpu.memref_slice %arg6[%dma_start3A_259, %dma_start3A_260] : memref<1280x32xf32, #tpu.memory_space<vmem>> -> memref<128x32xf32, #tpu.memory_space<vmem>>
    %dma_start3A_262 = arith.constant 2688 : i32
    %dma_start3A_263 = tpu.memref_slice %arg5[%dma_start3A_262] : memref<6400xi32, #tpu.memory_space<vmem>> -> memref<128xi32, #tpu.memory_space<vmem>>
    %dma_start3A_264 = arith.constant 0 : i32
    %dma_start3A_265 = arith.constant 0 : i32
    %dma_start3A_266 = tpu.memref_slice %arg3[%dma_start3A_264, %dma_start3A_265] : memref<1000000x32xf32, #tpu.memory_space<hbm>> -> memref<1000000x32xf32, #tpu.memory_space<hbm>>
    tpu.enqueue_indirect_dma source(%dma_start3A_266 : memref<1000000x32xf32, #tpu.memory_space<hbm>>) target(%dma_start3A_261 : memref<128x32xf32, #tpu.memory_space<vmem>>) offsets(%dma_start3A_263 : memref<128xi32, #tpu.memory_space<vmem>>) semaphore(%arg8 : memref<!tpu.dma_semaphore, #tpu.memory_space<semaphore_mem>>)
    %dma_start3A_267 = arith.constant 256 : i32
    %dma_start3A_268 = arith.constant 0 : i32
    %dma_start3A_269 = tpu.memref_slice %arg6[%dma_start3A_267, %dma_start3A_268] : memref<1280x32xf32, #tpu.memory_space<vmem>> -> memref<128x32xf32, #tpu.memory_space<vmem>>
    %dma_start3A_270 = arith.constant 2816 : i32
    %dma_start3A_271 = tpu.memref_slice %arg5[%dma_start3A_270] : memref<6400xi32, #tpu.memory_space<vmem>> -> memref<128xi32, #tpu.memory_space<vmem>>
    %dma_start3A_272 = arith.constant 0 : i32
    %dma_start3A_273 = arith.constant 0 : i32
    %dma_start3A_274 = tpu.memref_slice %arg3[%dma_start3A_272, %dma_start3A_273] : memref<1000000x32xf32, #tpu.memory_space<hbm>> -> memref<1000000x32xf32, #tpu.memory_space<hbm>>
    tpu.enqueue_indirect_dma source(%dma_start3A_274 : memref<1000000x32xf32, #tpu.memory_space<hbm>>) target(%dma_start3A_269 : memref<128x32xf32, #tpu.memory_space<vmem>>) offsets(%dma_start3A_271 : memref<128xi32, #tpu.memory_space<vmem>>) semaphore(%arg8 : memref<!tpu.dma_semaphore, #tpu.memory_space<semaphore_mem>>)
    %dma_start3A_275 = arith.constant 384 : i32
    %dma_start3A_276 = arith.constant 0 : i32
    %dma_start3A_277 = tpu.memref_slice %arg6[%dma_start3A_275, %dma_start3A_276] : memref<1280x32xf32, #tpu.memory_space<vmem>> -> memref<128x32xf32, #tpu.memory_space<vmem>>
    %dma_start3A_278 = arith.constant 2944 : i32
    %dma_start3A_279 = tpu.memref_slice %arg5[%dma_start3A_278] : memref<6400xi32, #tpu.memory_space<vmem>> -> memref<128xi32, #tpu.memory_space<vmem>>
    %dma_start3A_280 = arith.constant 0 : i32
    %dma_start3A_281 = arith.constant 0 : i32
    %dma_start3A_282 = tpu.memref_slice %arg3[%dma_start3A_280, %dma_start3A_281] : memref<1000000x32xf32, #tpu.memory_space<hbm>> -> memref<1000000x32xf32, #tpu.memory_space<hbm>>
    tpu.enqueue_indirect_dma source(%dma_start3A_282 : memref<1000000x32xf32, #tpu.memory_space<hbm>>) target(%dma_start3A_277 : memref<128x32xf32, #tpu.memory_space<vmem>>) offsets(%dma_start3A_279 : memref<128xi32, #tpu.memory_space<vmem>>) semaphore(%arg8 : memref<!tpu.dma_semaphore, #tpu.memory_space<semaphore_mem>>)
    %dma_start3A_283 = arith.constant 512 : i32
    %dma_start3A_284 = arith.constant 0 : i32
    %dma_start3A_285 = tpu.memref_slice %arg6[%dma_start3A_283, %dma_start3A_284] : memref<1280x32xf32, #tpu.memory_space<vmem>> -> memref<128x32xf32, #tpu.memory_space<vmem>>
    %dma_start3A_286 = arith.constant 3072 : i32
    %dma_start3A_287 = tpu.memref_slice %arg5[%dma_start3A_286] : memref<6400xi32, #tpu.memory_space<vmem>> -> memref<128xi32, #tpu.memory_space<vmem>>
    %dma_start3A_288 = arith.constant 0 : i32
    %dma_start3A_289 = arith.constant 0 : i32
    %dma_start3A_290 = tpu.memref_slice %arg3[%dma_start3A_288, %dma_start3A_289] : memref<1000000x32xf32, #tpu.memory_space<hbm>> -> memref<1000000x32xf32, #tpu.memory_space<hbm>>
    tpu.enqueue_indirect_dma source(%dma_start3A_290 : memref<1000000x32xf32, #tpu.memory_space<hbm>>) target(%dma_start3A_285 : memref<128x32xf32, #tpu.memory_space<vmem>>) offsets(%dma_start3A_287 : memref<128xi32, #tpu.memory_space<vmem>>) semaphore(%arg8 : memref<!tpu.dma_semaphore, #tpu.memory_space<semaphore_mem>>)
    %dma_start3A_291 = arith.constant 640 : i32
    %dma_start3A_292 = arith.constant 0 : i32
    %dma_start3A_293 = tpu.memref_slice %arg6[%dma_start3A_291, %dma_start3A_292] : memref<1280x32xf32, #tpu.memory_space<vmem>> -> memref<128x32xf32, #tpu.memory_space<vmem>>
    %dma_start3A_294 = arith.constant 3200 : i32
    %dma_start3A_295 = tpu.memref_slice %arg5[%dma_start3A_294] : memref<6400xi32, #tpu.memory_space<vmem>> -> memref<128xi32, #tpu.memory_space<vmem>>
    %dma_start3A_296 = arith.constant 0 : i32
    %dma_start3A_297 = arith.constant 0 : i32
    %dma_start3A_298 = tpu.memref_slice %arg3[%dma_start3A_296, %dma_start3A_297] : memref<1000000x32xf32, #tpu.memory_space<hbm>> -> memref<1000000x32xf32, #tpu.memory_space<hbm>>
    tpu.enqueue_indirect_dma source(%dma_start3A_298 : memref<1000000x32xf32, #tpu.memory_space<hbm>>) target(%dma_start3A_293 : memref<128x32xf32, #tpu.memory_space<vmem>>) offsets(%dma_start3A_295 : memref<128xi32, #tpu.memory_space<vmem>>) semaphore(%arg8 : memref<!tpu.dma_semaphore, #tpu.memory_space<semaphore_mem>>)
    %dma_start3A_299 = arith.constant 768 : i32
    %dma_start3A_300 = arith.constant 0 : i32
    %dma_start3A_301 = tpu.memref_slice %arg6[%dma_start3A_299, %dma_start3A_300] : memref<1280x32xf32, #tpu.memory_space<vmem>> -> memref<128x32xf32, #tpu.memory_space<vmem>>
    %dma_start3A_302 = arith.constant 3328 : i32
    %dma_start3A_303 = tpu.memref_slice %arg5[%dma_start3A_302] : memref<6400xi32, #tpu.memory_space<vmem>> -> memref<128xi32, #tpu.memory_space<vmem>>
    %dma_start3A_304 = arith.constant 0 : i32
    %dma_start3A_305 = arith.constant 0 : i32
    %dma_start3A_306 = tpu.memref_slice %arg3[%dma_start3A_304, %dma_start3A_305] : memref<1000000x32xf32, #tpu.memory_space<hbm>> -> memref<1000000x32xf32, #tpu.memory_space<hbm>>
    tpu.enqueue_indirect_dma source(%dma_start3A_306 : memref<1000000x32xf32, #tpu.memory_space<hbm>>) target(%dma_start3A_301 : memref<128x32xf32, #tpu.memory_space<vmem>>) offsets(%dma_start3A_303 : memref<128xi32, #tpu.memory_space<vmem>>) semaphore(%arg8 : memref<!tpu.dma_semaphore, #tpu.memory_space<semaphore_mem>>)
    %dma_start3A_307 = arith.constant 896 : i32
    %dma_start3A_308 = arith.constant 0 : i32
    %dma_start3A_309 = tpu.memref_slice %arg6[%dma_start3A_307, %dma_start3A_308] : memref<1280x32xf32, #tpu.memory_space<vmem>> -> memref<128x32xf32, #tpu.memory_space<vmem>>
    %dma_start3A_310 = arith.constant 3456 : i32
    %dma_start3A_311 = tpu.memref_slice %arg5[%dma_start3A_310] : memref<6400xi32, #tpu.memory_space<vmem>> -> memref<128xi32, #tpu.memory_space<vmem>>
    %dma_start3A_312 = arith.constant 0 : i32
    %dma_start3A_313 = arith.constant 0 : i32
    %dma_start3A_314 = tpu.memref_slice %arg3[%dma_start3A_312, %dma_start3A_313] : memref<1000000x32xf32, #tpu.memory_space<hbm>> -> memref<1000000x32xf32, #tpu.memory_space<hbm>>
    tpu.enqueue_indirect_dma source(%dma_start3A_314 : memref<1000000x32xf32, #tpu.memory_space<hbm>>) target(%dma_start3A_309 : memref<128x32xf32, #tpu.memory_space<vmem>>) offsets(%dma_start3A_311 : memref<128xi32, #tpu.memory_space<vmem>>) semaphore(%arg8 : memref<!tpu.dma_semaphore, #tpu.memory_space<semaphore_mem>>)
    %dma_start3A_315 = arith.constant 1024 : i32
    %dma_start3A_316 = arith.constant 0 : i32
    %dma_start3A_317 = tpu.memref_slice %arg6[%dma_start3A_315, %dma_start3A_316] : memref<1280x32xf32, #tpu.memory_space<vmem>> -> memref<128x32xf32, #tpu.memory_space<vmem>>
    %dma_start3A_318 = arith.constant 3584 : i32
    %dma_start3A_319 = tpu.memref_slice %arg5[%dma_start3A_318] : memref<6400xi32, #tpu.memory_space<vmem>> -> memref<128xi32, #tpu.memory_space<vmem>>
    %dma_start3A_320 = arith.constant 0 : i32
    %dma_start3A_321 = arith.constant 0 : i32
    %dma_start3A_322 = tpu.memref_slice %arg3[%dma_start3A_320, %dma_start3A_321] : memref<1000000x32xf32, #tpu.memory_space<hbm>> -> memref<1000000x32xf32, #tpu.memory_space<hbm>>
    tpu.enqueue_indirect_dma source(%dma_start3A_322 : memref<1000000x32xf32, #tpu.memory_space<hbm>>) target(%dma_start3A_317 : memref<128x32xf32, #tpu.memory_space<vmem>>) offsets(%dma_start3A_319 : memref<128xi32, #tpu.memory_space<vmem>>) semaphore(%arg8 : memref<!tpu.dma_semaphore, #tpu.memory_space<semaphore_mem>>)
    %dma_start3A_323 = arith.constant 1152 : i32
    %dma_start3A_324 = arith.constant 0 : i32
    %dma_start3A_325 = tpu.memref_slice %arg6[%dma_start3A_323, %dma_start3A_324] : memref<1280x32xf32, #tpu.memory_space<vmem>> -> memref<128x32xf32, #tpu.memory_space<vmem>>
    %dma_start3A_326 = arith.constant 3712 : i32
    %dma_start3A_327 = tpu.memref_slice %arg5[%dma_start3A_326] : memref<6400xi32, #tpu.memory_space<vmem>> -> memref<128xi32, #tpu.memory_space<vmem>>
    %dma_start3A_328 = arith.constant 0 : i32
    %dma_start3A_329 = arith.constant 0 : i32
    %dma_start3A_330 = tpu.memref_slice %arg3[%dma_start3A_328, %dma_start3A_329] : memref<1000000x32xf32, #tpu.memory_space<hbm>> -> memref<1000000x32xf32, #tpu.memory_space<hbm>>
    tpu.enqueue_indirect_dma source(%dma_start3A_330 : memref<1000000x32xf32, #tpu.memory_space<hbm>>) target(%dma_start3A_325 : memref<128x32xf32, #tpu.memory_space<vmem>>) offsets(%dma_start3A_327 : memref<128xi32, #tpu.memory_space<vmem>>) semaphore(%arg8 : memref<!tpu.dma_semaphore, #tpu.memory_space<semaphore_mem>>)
    %dma_wait3A_331 = arith.constant 0 : i32
    %dma_wait3A_332 = arith.constant 0 : i32
    %dma_wait3A_333 = tpu.memref_slice %arg7[%dma_wait3A_331, %dma_wait3A_332] : memref<1280x32xf32, #tpu.memory_space<vmem>> -> memref<128x32xf32, #tpu.memory_space<vmem>>
    %dma_wait3A_334 = arith.constant 1280 : i32
    %dma_wait3A_335 = tpu.memref_slice %arg5[%dma_wait3A_334] : memref<6400xi32, #tpu.memory_space<vmem>> -> memref<128xi32, #tpu.memory_space<vmem>>
    %dma_wait3A_336 = arith.constant 0 : i32
    %dma_wait3A_337 = arith.constant 0 : i32
    %dma_wait3A_338 = tpu.memref_slice %arg3[%dma_wait3A_336, %dma_wait3A_337] : memref<1000000x32xf32, #tpu.memory_space<hbm>> -> memref<1000000x32xf32, #tpu.memory_space<hbm>>
    tpu.wait_indirect_dma semaphore(%arg9 : memref<!tpu.dma_semaphore, #tpu.memory_space<semaphore_mem>>) src(%dma_wait3A_338 : memref<1000000x32xf32, #tpu.memory_space<hbm>>) dst(%dma_wait3A_333 : memref<128x32xf32, #tpu.memory_space<vmem>>)
    %dma_wait3A_339 = arith.constant 128 : i32
    %dma_wait3A_340 = arith.constant 0 : i32
    %dma_wait3A_341 = tpu.memref_slice %arg7[%dma_wait3A_339, %dma_wait3A_340] : memref<1280x32xf32, #tpu.memory_space<vmem>> -> memref<128x32xf32, #tpu.memory_space<vmem>>
    %dma_wait3A_342 = arith.constant 1408 : i32
    %dma_wait3A_343 = tpu.memref_slice %arg5[%dma_wait3A_342] : memref<6400xi32, #tpu.memory_space<vmem>> -> memref<128xi32, #tpu.memory_space<vmem>>
    %dma_wait3A_344 = arith.constant 0 : i32
    %dma_wait3A_345 = arith.constant 0 : i32
    %dma_wait3A_346 = tpu.memref_slice %arg3[%dma_wait3A_344, %dma_wait3A_345] : memref<1000000x32xf32, #tpu.memory_space<hbm>> -> memref<1000000x32xf32, #tpu.memory_space<hbm>>
    tpu.wait_indirect_dma semaphore(%arg9 : memref<!tpu.dma_semaphore, #tpu.memory_space<semaphore_mem>>) src(%dma_wait3A_346 : memref<1000000x32xf32, #tpu.memory_space<hbm>>) dst(%dma_wait3A_341 : memref<128x32xf32, #tpu.memory_space<vmem>>)
    %dma_wait3A_347 = arith.constant 256 : i32
    %dma_wait3A_348 = arith.constant 0 : i32
    %dma_wait3A_349 = tpu.memref_slice %arg7[%dma_wait3A_347, %dma_wait3A_348] : memref<1280x32xf32, #tpu.memory_space<vmem>> -> memref<128x32xf32, #tpu.memory_space<vmem>>
    %dma_wait3A_350 = arith.constant 1536 : i32
    %dma_wait3A_351 = tpu.memref_slice %arg5[%dma_wait3A_350] : memref<6400xi32, #tpu.memory_space<vmem>> -> memref<128xi32, #tpu.memory_space<vmem>>
    %dma_wait3A_352 = arith.constant 0 : i32
    %dma_wait3A_353 = arith.constant 0 : i32
    %dma_wait3A_354 = tpu.memref_slice %arg3[%dma_wait3A_352, %dma_wait3A_353] : memref<1000000x32xf32, #tpu.memory_space<hbm>> -> memref<1000000x32xf32, #tpu.memory_space<hbm>>
    tpu.wait_indirect_dma semaphore(%arg9 : memref<!tpu.dma_semaphore, #tpu.memory_space<semaphore_mem>>) src(%dma_wait3A_354 : memref<1000000x32xf32, #tpu.memory_space<hbm>>) dst(%dma_wait3A_349 : memref<128x32xf32, #tpu.memory_space<vmem>>)
    %dma_wait3A_355 = arith.constant 384 : i32
    %dma_wait3A_356 = arith.constant 0 : i32
    %dma_wait3A_357 = tpu.memref_slice %arg7[%dma_wait3A_355, %dma_wait3A_356] : memref<1280x32xf32, #tpu.memory_space<vmem>> -> memref<128x32xf32, #tpu.memory_space<vmem>>
    %dma_wait3A_358 = arith.constant 1664 : i32
    %dma_wait3A_359 = tpu.memref_slice %arg5[%dma_wait3A_358] : memref<6400xi32, #tpu.memory_space<vmem>> -> memref<128xi32, #tpu.memory_space<vmem>>
    %dma_wait3A_360 = arith.constant 0 : i32
    %dma_wait3A_361 = arith.constant 0 : i32
    %dma_wait3A_362 = tpu.memref_slice %arg3[%dma_wait3A_360, %dma_wait3A_361] : memref<1000000x32xf32, #tpu.memory_space<hbm>> -> memref<1000000x32xf32, #tpu.memory_space<hbm>>
    tpu.wait_indirect_dma semaphore(%arg9 : memref<!tpu.dma_semaphore, #tpu.memory_space<semaphore_mem>>) src(%dma_wait3A_362 : memref<1000000x32xf32, #tpu.memory_space<hbm>>) dst(%dma_wait3A_357 : memref<128x32xf32, #tpu.memory_space<vmem>>)
    %dma_wait3A_363 = arith.constant 512 : i32
    %dma_wait3A_364 = arith.constant 0 : i32
    %dma_wait3A_365 = tpu.memref_slice %arg7[%dma_wait3A_363, %dma_wait3A_364] : memref<1280x32xf32, #tpu.memory_space<vmem>> -> memref<128x32xf32, #tpu.memory_space<vmem>>
    %dma_wait3A_366 = arith.constant 1792 : i32
    %dma_wait3A_367 = tpu.memref_slice %arg5[%dma_wait3A_366] : memref<6400xi32, #tpu.memory_space<vmem>> -> memref<128xi32, #tpu.memory_space<vmem>>
    %dma_wait3A_368 = arith.constant 0 : i32
    %dma_wait3A_369 = arith.constant 0 : i32
    %dma_wait3A_370 = tpu.memref_slice %arg3[%dma_wait3A_368, %dma_wait3A_369] : memref<1000000x32xf32, #tpu.memory_space<hbm>> -> memref<1000000x32xf32, #tpu.memory_space<hbm>>
    tpu.wait_indirect_dma semaphore(%arg9 : memref<!tpu.dma_semaphore, #tpu.memory_space<semaphore_mem>>) src(%dma_wait3A_370 : memref<1000000x32xf32, #tpu.memory_space<hbm>>) dst(%dma_wait3A_365 : memref<128x32xf32, #tpu.memory_space<vmem>>)
    %dma_wait3A_371 = arith.constant 640 : i32
    %dma_wait3A_372 = arith.constant 0 : i32
    %dma_wait3A_373 = tpu.memref_slice %arg7[%dma_wait3A_371, %dma_wait3A_372] : memref<1280x32xf32, #tpu.memory_space<vmem>> -> memref<128x32xf32, #tpu.memory_space<vmem>>
    %dma_wait3A_374 = arith.constant 1920 : i32
    %dma_wait3A_375 = tpu.memref_slice %arg5[%dma_wait3A_374] : memref<6400xi32, #tpu.memory_space<vmem>> -> memref<128xi32, #tpu.memory_space<vmem>>
    %dma_wait3A_376 = arith.constant 0 : i32
    %dma_wait3A_377 = arith.constant 0 : i32
    %dma_wait3A_378 = tpu.memref_slice %arg3[%dma_wait3A_376, %dma_wait3A_377] : memref<1000000x32xf32, #tpu.memory_space<hbm>> -> memref<1000000x32xf32, #tpu.memory_space<hbm>>
    tpu.wait_indirect_dma semaphore(%arg9 : memref<!tpu.dma_semaphore, #tpu.memory_space<semaphore_mem>>) src(%dma_wait3A_378 : memref<1000000x32xf32, #tpu.memory_space<hbm>>) dst(%dma_wait3A_373 : memref<128x32xf32, #tpu.memory_space<vmem>>)
    %dma_wait3A_379 = arith.constant 768 : i32
    %dma_wait3A_380 = arith.constant 0 : i32
    %dma_wait3A_381 = tpu.memref_slice %arg7[%dma_wait3A_379, %dma_wait3A_380] : memref<1280x32xf32, #tpu.memory_space<vmem>> -> memref<128x32xf32, #tpu.memory_space<vmem>>
    %dma_wait3A_382 = arith.constant 2048 : i32
    %dma_wait3A_383 = tpu.memref_slice %arg5[%dma_wait3A_382] : memref<6400xi32, #tpu.memory_space<vmem>> -> memref<128xi32, #tpu.memory_space<vmem>>
    %dma_wait3A_384 = arith.constant 0 : i32
    %dma_wait3A_385 = arith.constant 0 : i32
    %dma_wait3A_386 = tpu.memref_slice %arg3[%dma_wait3A_384, %dma_wait3A_385] : memref<1000000x32xf32, #tpu.memory_space<hbm>> -> memref<1000000x32xf32, #tpu.memory_space<hbm>>
    tpu.wait_indirect_dma semaphore(%arg9 : memref<!tpu.dma_semaphore, #tpu.memory_space<semaphore_mem>>) src(%dma_wait3A_386 : memref<1000000x32xf32, #tpu.memory_space<hbm>>) dst(%dma_wait3A_381 : memref<128x32xf32, #tpu.memory_space<vmem>>)
    %dma_wait3A_387 = arith.constant 896 : i32
    %dma_wait3A_388 = arith.constant 0 : i32
    %dma_wait3A_389 = tpu.memref_slice %arg7[%dma_wait3A_387, %dma_wait3A_388] : memref<1280x32xf32, #tpu.memory_space<vmem>> -> memref<128x32xf32, #tpu.memory_space<vmem>>
    %dma_wait3A_390 = arith.constant 2176 : i32
    %dma_wait3A_391 = tpu.memref_slice %arg5[%dma_wait3A_390] : memref<6400xi32, #tpu.memory_space<vmem>> -> memref<128xi32, #tpu.memory_space<vmem>>
    %dma_wait3A_392 = arith.constant 0 : i32
    %dma_wait3A_393 = arith.constant 0 : i32
    %dma_wait3A_394 = tpu.memref_slice %arg3[%dma_wait3A_392, %dma_wait3A_393] : memref<1000000x32xf32, #tpu.memory_space<hbm>> -> memref<1000000x32xf32, #tpu.memory_space<hbm>>
    tpu.wait_indirect_dma semaphore(%arg9 : memref<!tpu.dma_semaphore, #tpu.memory_space<semaphore_mem>>) src(%dma_wait3A_394 : memref<1000000x32xf32, #tpu.memory_space<hbm>>) dst(%dma_wait3A_389 : memref<128x32xf32, #tpu.memory_space<vmem>>)
    %dma_wait3A_395 = arith.constant 1024 : i32
    %dma_wait3A_396 = arith.constant 0 : i32
    %dma_wait3A_397 = tpu.memref_slice %arg7[%dma_wait3A_395, %dma_wait3A_396] : memref<1280x32xf32, #tpu.memory_space<vmem>> -> memref<128x32xf32, #tpu.memory_space<vmem>>
    %dma_wait3A_398 = arith.constant 2304 : i32
    %dma_wait3A_399 = tpu.memref_slice %arg5[%dma_wait3A_398] : memref<6400xi32, #tpu.memory_space<vmem>> -> memref<128xi32, #tpu.memory_space<vmem>>
    %dma_wait3A_400 = arith.constant 0 : i32
    %dma_wait3A_401 = arith.constant 0 : i32
    %dma_wait3A_402 = tpu.memref_slice %arg3[%dma_wait3A_400, %dma_wait3A_401] : memref<1000000x32xf32, #tpu.memory_space<hbm>> -> memref<1000000x32xf32, #tpu.memory_space<hbm>>
    tpu.wait_indirect_dma semaphore(%arg9 : memref<!tpu.dma_semaphore, #tpu.memory_space<semaphore_mem>>) src(%dma_wait3A_402 : memref<1000000x32xf32, #tpu.memory_space<hbm>>) dst(%dma_wait3A_397 : memref<128x32xf32, #tpu.memory_space<vmem>>)
    %dma_wait3A_403 = arith.constant 1152 : i32
    %dma_wait3A_404 = arith.constant 0 : i32
    %dma_wait3A_405 = tpu.memref_slice %arg7[%dma_wait3A_403, %dma_wait3A_404] : memref<1280x32xf32, #tpu.memory_space<vmem>> -> memref<128x32xf32, #tpu.memory_space<vmem>>
    %dma_wait3A_406 = arith.constant 2432 : i32
    %dma_wait3A_407 = tpu.memref_slice %arg5[%dma_wait3A_406] : memref<6400xi32, #tpu.memory_space<vmem>> -> memref<128xi32, #tpu.memory_space<vmem>>
    %dma_wait3A_408 = arith.constant 0 : i32
    %dma_wait3A_409 = arith.constant 0 : i32
    %dma_wait3A_410 = tpu.memref_slice %arg3[%dma_wait3A_408, %dma_wait3A_409] : memref<1000000x32xf32, #tpu.memory_space<hbm>> -> memref<1000000x32xf32, #tpu.memory_space<hbm>>
    tpu.wait_indirect_dma semaphore(%arg9 : memref<!tpu.dma_semaphore, #tpu.memory_space<semaphore_mem>>) src(%dma_wait3A_410 : memref<1000000x32xf32, #tpu.memory_space<hbm>>) dst(%dma_wait3A_405 : memref<128x32xf32, #tpu.memory_space<vmem>>)
    %add3A_411 = arith.constant 1280 : i32
    %add3A_412 = arith.addi %mul3A_2, %add3A_411 : i32
    %dma_start3A_413 = arith.constant 0 : i32
    %dma_start3A_414 = tpu.memref_slice %arg4[%add3A_412, %dma_start3A_413] : memref<204800x32xf32, #tpu.memory_space<hbm>> -> memref<1280x32xf32, #tpu.memory_space<hbm>>
    %dma_start3A_415 = arith.constant 0 : i32
    %dma_start3A_416 = tpu.memref_slice %arg4[%add3A_412, %dma_start3A_415] : memref<204800x32xf32, #tpu.memory_space<hbm>> -> memref<1280x32xf32, #tpu.memory_space<hbm>>
    tpu.enqueue_dma source(%arg7 : memref<1280x32xf32, #tpu.memory_space<vmem>>) target(%dma_start3A_416 : memref<1280x32xf32, #tpu.memory_space<hbm>>) target_semaphore(%arg11 : memref<!tpu.dma_semaphore, #tpu.memory_space<semaphore_mem>>)
    %dma_wait3A_417 = arith.constant 0 : i32
    %dma_wait3A_418 = tpu.memref_slice %arg4[%add3A_412, %dma_wait3A_417] : memref<204800x32xf32, #tpu.memory_space<hbm>> -> memref<1280x32xf32, #tpu.memory_space<hbm>>
    %dma_wait3A_419 = arith.constant 0 : i32
    %dma_wait3A_420 = tpu.memref_slice %arg4[%add3A_412, %dma_wait3A_419] : memref<204800x32xf32, #tpu.memory_space<hbm>> -> memref<1280x32xf32, #tpu.memory_space<hbm>>
    tpu.wait_dma2 semaphore(%arg11 : memref<!tpu.dma_semaphore, #tpu.memory_space<semaphore_mem>>) src(%arg7 : memref<1280x32xf32, #tpu.memory_space<vmem>>) dst(%dma_wait3A_420 : memref<1280x32xf32, #tpu.memory_space<hbm>>)
    %dma_start3A_421 = arith.constant 0 : i32
    %dma_start3A_422 = arith.constant 0 : i32
    %dma_start3A_423 = tpu.memref_slice %arg7[%dma_start3A_421, %dma_start3A_422] : memref<1280x32xf32, #tpu.memory_space<vmem>> -> memref<128x32xf32, #tpu.memory_space<vmem>>
    %dma_start3A_424 = arith.constant 3840 : i32
    %dma_start3A_425 = tpu.memref_slice %arg5[%dma_start3A_424] : memref<6400xi32, #tpu.memory_space<vmem>> -> memref<128xi32, #tpu.memory_space<vmem>>
    %dma_start3A_426 = arith.constant 0 : i32
    %dma_start3A_427 = arith.constant 0 : i32
    %dma_start3A_428 = tpu.memref_slice %arg3[%dma_start3A_426, %dma_start3A_427] : memref<1000000x32xf32, #tpu.memory_space<hbm>> -> memref<1000000x32xf32, #tpu.memory_space<hbm>>
    tpu.enqueue_indirect_dma source(%dma_start3A_428 : memref<1000000x32xf32, #tpu.memory_space<hbm>>) target(%dma_start3A_423 : memref<128x32xf32, #tpu.memory_space<vmem>>) offsets(%dma_start3A_425 : memref<128xi32, #tpu.memory_space<vmem>>) semaphore(%arg9 : memref<!tpu.dma_semaphore, #tpu.memory_space<semaphore_mem>>)
    %dma_start3A_429 = arith.constant 128 : i32
    %dma_start3A_430 = arith.constant 0 : i32
    %dma_start3A_431 = tpu.memref_slice %arg7[%dma_start3A_429, %dma_start3A_430] : memref<1280x32xf32, #tpu.memory_space<vmem>> -> memref<128x32xf32, #tpu.memory_space<vmem>>
    %dma_start3A_432 = arith.constant 3968 : i32
    %dma_start3A_433 = tpu.memref_slice %arg5[%dma_start3A_432] : memref<6400xi32, #tpu.memory_space<vmem>> -> memref<128xi32, #tpu.memory_space<vmem>>
    %dma_start3A_434 = arith.constant 0 : i32
    %dma_start3A_435 = arith.constant 0 : i32
    %dma_start3A_436 = tpu.memref_slice %arg3[%dma_start3A_434, %dma_start3A_435] : memref<1000000x32xf32, #tpu.memory_space<hbm>> -> memref<1000000x32xf32, #tpu.memory_space<hbm>>
    tpu.enqueue_indirect_dma source(%dma_start3A_436 : memref<1000000x32xf32, #tpu.memory_space<hbm>>) target(%dma_start3A_431 : memref<128x32xf32, #tpu.memory_space<vmem>>) offsets(%dma_start3A_433 : memref<128xi32, #tpu.memory_space<vmem>>) semaphore(%arg9 : memref<!tpu.dma_semaphore, #tpu.memory_space<semaphore_mem>>)
    %dma_start3A_437 = arith.constant 256 : i32
    %dma_start3A_438 = arith.constant 0 : i32
    %dma_start3A_439 = tpu.memref_slice %arg7[%dma_start3A_437, %dma_start3A_438] : memref<1280x32xf32, #tpu.memory_space<vmem>> -> memref<128x32xf32, #tpu.memory_space<vmem>>
    %dma_start3A_440 = arith.constant 4096 : i32
    %dma_start3A_441 = tpu.memref_slice %arg5[%dma_start3A_440] : memref<6400xi32, #tpu.memory_space<vmem>> -> memref<128xi32, #tpu.memory_space<vmem>>
    %dma_start3A_442 = arith.constant 0 : i32
    %dma_start3A_443 = arith.constant 0 : i32
    %dma_start3A_444 = tpu.memref_slice %arg3[%dma_start3A_442, %dma_start3A_443] : memref<1000000x32xf32, #tpu.memory_space<hbm>> -> memref<1000000x32xf32, #tpu.memory_space<hbm>>
    tpu.enqueue_indirect_dma source(%dma_start3A_444 : memref<1000000x32xf32, #tpu.memory_space<hbm>>) target(%dma_start3A_439 : memref<128x32xf32, #tpu.memory_space<vmem>>) offsets(%dma_start3A_441 : memref<128xi32, #tpu.memory_space<vmem>>) semaphore(%arg9 : memref<!tpu.dma_semaphore, #tpu.memory_space<semaphore_mem>>)
    %dma_start3A_445 = arith.constant 384 : i32
    %dma_start3A_446 = arith.constant 0 : i32
    %dma_start3A_447 = tpu.memref_slice %arg7[%dma_start3A_445, %dma_start3A_446] : memref<1280x32xf32, #tpu.memory_space<vmem>> -> memref<128x32xf32, #tpu.memory_space<vmem>>
    %dma_start3A_448 = arith.constant 4224 : i32
    %dma_start3A_449 = tpu.memref_slice %arg5[%dma_start3A_448] : memref<6400xi32, #tpu.memory_space<vmem>> -> memref<128xi32, #tpu.memory_space<vmem>>
    %dma_start3A_450 = arith.constant 0 : i32
    %dma_start3A_451 = arith.constant 0 : i32
    %dma_start3A_452 = tpu.memref_slice %arg3[%dma_start3A_450, %dma_start3A_451] : memref<1000000x32xf32, #tpu.memory_space<hbm>> -> memref<1000000x32xf32, #tpu.memory_space<hbm>>
    tpu.enqueue_indirect_dma source(%dma_start3A_452 : memref<1000000x32xf32, #tpu.memory_space<hbm>>) target(%dma_start3A_447 : memref<128x32xf32, #tpu.memory_space<vmem>>) offsets(%dma_start3A_449 : memref<128xi32, #tpu.memory_space<vmem>>) semaphore(%arg9 : memref<!tpu.dma_semaphore, #tpu.memory_space<semaphore_mem>>)
    %dma_start3A_453 = arith.constant 512 : i32
    %dma_start3A_454 = arith.constant 0 : i32
    %dma_start3A_455 = tpu.memref_slice %arg7[%dma_start3A_453, %dma_start3A_454] : memref<1280x32xf32, #tpu.memory_space<vmem>> -> memref<128x32xf32, #tpu.memory_space<vmem>>
    %dma_start3A_456 = arith.constant 4352 : i32
    %dma_start3A_457 = tpu.memref_slice %arg5[%dma_start3A_456] : memref<6400xi32, #tpu.memory_space<vmem>> -> memref<128xi32, #tpu.memory_space<vmem>>
    %dma_start3A_458 = arith.constant 0 : i32
    %dma_start3A_459 = arith.constant 0 : i32
    %dma_start3A_460 = tpu.memref_slice %arg3[%dma_start3A_458, %dma_start3A_459] : memref<1000000x32xf32, #tpu.memory_space<hbm>> -> memref<1000000x32xf32, #tpu.memory_space<hbm>>
    tpu.enqueue_indirect_dma source(%dma_start3A_460 : memref<1000000x32xf32, #tpu.memory_space<hbm>>) target(%dma_start3A_455 : memref<128x32xf32, #tpu.memory_space<vmem>>) offsets(%dma_start3A_457 : memref<128xi32, #tpu.memory_space<vmem>>) semaphore(%arg9 : memref<!tpu.dma_semaphore, #tpu.memory_space<semaphore_mem>>)
    %dma_start3A_461 = arith.constant 640 : i32
    %dma_start3A_462 = arith.constant 0 : i32
    %dma_start3A_463 = tpu.memref_slice %arg7[%dma_start3A_461, %dma_start3A_462] : memref<1280x32xf32, #tpu.memory_space<vmem>> -> memref<128x32xf32, #tpu.memory_space<vmem>>
    %dma_start3A_464 = arith.constant 4480 : i32
    %dma_start3A_465 = tpu.memref_slice %arg5[%dma_start3A_464] : memref<6400xi32, #tpu.memory_space<vmem>> -> memref<128xi32, #tpu.memory_space<vmem>>
    %dma_start3A_466 = arith.constant 0 : i32
    %dma_start3A_467 = arith.constant 0 : i32
    %dma_start3A_468 = tpu.memref_slice %arg3[%dma_start3A_466, %dma_start3A_467] : memref<1000000x32xf32, #tpu.memory_space<hbm>> -> memref<1000000x32xf32, #tpu.memory_space<hbm>>
    tpu.enqueue_indirect_dma source(%dma_start3A_468 : memref<1000000x32xf32, #tpu.memory_space<hbm>>) target(%dma_start3A_463 : memref<128x32xf32, #tpu.memory_space<vmem>>) offsets(%dma_start3A_465 : memref<128xi32, #tpu.memory_space<vmem>>) semaphore(%arg9 : memref<!tpu.dma_semaphore, #tpu.memory_space<semaphore_mem>>)
    %dma_start3A_469 = arith.constant 768 : i32
    %dma_start3A_470 = arith.constant 0 : i32
    %dma_start3A_471 = tpu.memref_slice %arg7[%dma_start3A_469, %dma_start3A_470] : memref<1280x32xf32, #tpu.memory_space<vmem>> -> memref<128x32xf32, #tpu.memory_space<vmem>>
    %dma_start3A_472 = arith.constant 4608 : i32
    %dma_start3A_473 = tpu.memref_slice %arg5[%dma_start3A_472] : memref<6400xi32, #tpu.memory_space<vmem>> -> memref<128xi32, #tpu.memory_space<vmem>>
    %dma_start3A_474 = arith.constant 0 : i32
    %dma_start3A_475 = arith.constant 0 : i32
    %dma_start3A_476 = tpu.memref_slice %arg3[%dma_start3A_474, %dma_start3A_475] : memref<1000000x32xf32, #tpu.memory_space<hbm>> -> memref<1000000x32xf32, #tpu.memory_space<hbm>>
    tpu.enqueue_indirect_dma source(%dma_start3A_476 : memref<1000000x32xf32, #tpu.memory_space<hbm>>) target(%dma_start3A_471 : memref<128x32xf32, #tpu.memory_space<vmem>>) offsets(%dma_start3A_473 : memref<128xi32, #tpu.memory_space<vmem>>) semaphore(%arg9 : memref<!tpu.dma_semaphore, #tpu.memory_space<semaphore_mem>>)
    %dma_start3A_477 = arith.constant 896 : i32
    %dma_start3A_478 = arith.constant 0 : i32
    %dma_start3A_479 = tpu.memref_slice %arg7[%dma_start3A_477, %dma_start3A_478] : memref<1280x32xf32, #tpu.memory_space<vmem>> -> memref<128x32xf32, #tpu.memory_space<vmem>>
    %dma_start3A_480 = arith.constant 4736 : i32
    %dma_start3A_481 = tpu.memref_slice %arg5[%dma_start3A_480] : memref<6400xi32, #tpu.memory_space<vmem>> -> memref<128xi32, #tpu.memory_space<vmem>>
    %dma_start3A_482 = arith.constant 0 : i32
    %dma_start3A_483 = arith.constant 0 : i32
    %dma_start3A_484 = tpu.memref_slice %arg3[%dma_start3A_482, %dma_start3A_483] : memref<1000000x32xf32, #tpu.memory_space<hbm>> -> memref<1000000x32xf32, #tpu.memory_space<hbm>>
    tpu.enqueue_indirect_dma source(%dma_start3A_484 : memref<1000000x32xf32, #tpu.memory_space<hbm>>) target(%dma_start3A_479 : memref<128x32xf32, #tpu.memory_space<vmem>>) offsets(%dma_start3A_481 : memref<128xi32, #tpu.memory_space<vmem>>) semaphore(%arg9 : memref<!tpu.dma_semaphore, #tpu.memory_space<semaphore_mem>>)
    %dma_start3A_485 = arith.constant 1024 : i32
    %dma_start3A_486 = arith.constant 0 : i32
    %dma_start3A_487 = tpu.memref_slice %arg7[%dma_start3A_485, %dma_start3A_486] : memref<1280x32xf32, #tpu.memory_space<vmem>> -> memref<128x32xf32, #tpu.memory_space<vmem>>
    %dma_start3A_488 = arith.constant 4864 : i32
    %dma_start3A_489 = tpu.memref_slice %arg5[%dma_start3A_488] : memref<6400xi32, #tpu.memory_space<vmem>> -> memref<128xi32, #tpu.memory_space<vmem>>
    %dma_start3A_490 = arith.constant 0 : i32
    %dma_start3A_491 = arith.constant 0 : i32
    %dma_start3A_492 = tpu.memref_slice %arg3[%dma_start3A_490, %dma_start3A_491] : memref<1000000x32xf32, #tpu.memory_space<hbm>> -> memref<1000000x32xf32, #tpu.memory_space<hbm>>
    tpu.enqueue_indirect_dma source(%dma_start3A_492 : memref<1000000x32xf32, #tpu.memory_space<hbm>>) target(%dma_start3A_487 : memref<128x32xf32, #tpu.memory_space<vmem>>) offsets(%dma_start3A_489 : memref<128xi32, #tpu.memory_space<vmem>>) semaphore(%arg9 : memref<!tpu.dma_semaphore, #tpu.memory_space<semaphore_mem>>)
    %dma_start3A_493 = arith.constant 1152 : i32
    %dma_start3A_494 = arith.constant 0 : i32
    %dma_start3A_495 = tpu.memref_slice %arg7[%dma_start3A_493, %dma_start3A_494] : memref<1280x32xf32, #tpu.memory_space<vmem>> -> memref<128x32xf32, #tpu.memory_space<vmem>>
    %dma_start3A_496 = arith.constant 4992 : i32
    %dma_start3A_497 = tpu.memref_slice %arg5[%dma_start3A_496] : memref<6400xi32, #tpu.memory_space<vmem>> -> memref<128xi32, #tpu.memory_space<vmem>>
    %dma_start3A_498 = arith.constant 0 : i32
    %dma_start3A_499 = arith.constant 0 : i32
    %dma_start3A_500 = tpu.memref_slice %arg3[%dma_start3A_498, %dma_start3A_499] : memref<1000000x32xf32, #tpu.memory_space<hbm>> -> memref<1000000x32xf32, #tpu.memory_space<hbm>>
    tpu.enqueue_indirect_dma source(%dma_start3A_500 : memref<1000000x32xf32, #tpu.memory_space<hbm>>) target(%dma_start3A_495 : memref<128x32xf32, #tpu.memory_space<vmem>>) offsets(%dma_start3A_497 : memref<128xi32, #tpu.memory_space<vmem>>) semaphore(%arg9 : memref<!tpu.dma_semaphore, #tpu.memory_space<semaphore_mem>>)
    %dma_wait3A_501 = arith.constant 0 : i32
    %dma_wait3A_502 = arith.constant 0 : i32
    %dma_wait3A_503 = tpu.memref_slice %arg6[%dma_wait3A_501, %dma_wait3A_502] : memref<1280x32xf32, #tpu.memory_space<vmem>> -> memref<128x32xf32, #tpu.memory_space<vmem>>
    %dma_wait3A_504 = arith.constant 2560 : i32
    %dma_wait3A_505 = tpu.memref_slice %arg5[%dma_wait3A_504] : memref<6400xi32, #tpu.memory_space<vmem>> -> memref<128xi32, #tpu.memory_space<vmem>>
    %dma_wait3A_506 = arith.constant 0 : i32
    %dma_wait3A_507 = arith.constant 0 : i32
    %dma_wait3A_508 = tpu.memref_slice %arg3[%dma_wait3A_506, %dma_wait3A_507] : memref<1000000x32xf32, #tpu.memory_space<hbm>> -> memref<1000000x32xf32, #tpu.memory_space<hbm>>
    tpu.wait_indirect_dma semaphore(%arg8 : memref<!tpu.dma_semaphore, #tpu.memory_space<semaphore_mem>>) src(%dma_wait3A_508 : memref<1000000x32xf32, #tpu.memory_space<hbm>>) dst(%dma_wait3A_503 : memref<128x32xf32, #tpu.memory_space<vmem>>)
    %dma_wait3A_509 = arith.constant 128 : i32
    %dma_wait3A_510 = arith.constant 0 : i32
    %dma_wait3A_511 = tpu.memref_slice %arg6[%dma_wait3A_509, %dma_wait3A_510] : memref<1280x32xf32, #tpu.memory_space<vmem>> -> memref<128x32xf32, #tpu.memory_space<vmem>>
    %dma_wait3A_512 = arith.constant 2688 : i32
    %dma_wait3A_513 = tpu.memref_slice %arg5[%dma_wait3A_512] : memref<6400xi32, #tpu.memory_space<vmem>> -> memref<128xi32, #tpu.memory_space<vmem>>
    %dma_wait3A_514 = arith.constant 0 : i32
    %dma_wait3A_515 = arith.constant 0 : i32
    %dma_wait3A_516 = tpu.memref_slice %arg3[%dma_wait3A_514, %dma_wait3A_515] : memref<1000000x32xf32, #tpu.memory_space<hbm>> -> memref<1000000x32xf32, #tpu.memory_space<hbm>>
    tpu.wait_indirect_dma semaphore(%arg8 : memref<!tpu.dma_semaphore, #tpu.memory_space<semaphore_mem>>) src(%dma_wait3A_516 : memref<1000000x32xf32, #tpu.memory_space<hbm>>) dst(%dma_wait3A_511 : memref<128x32xf32, #tpu.memory_space<vmem>>)
    %dma_wait3A_517 = arith.constant 256 : i32
    %dma_wait3A_518 = arith.constant 0 : i32
    %dma_wait3A_519 = tpu.memref_slice %arg6[%dma_wait3A_517, %dma_wait3A_518] : memref<1280x32xf32, #tpu.memory_space<vmem>> -> memref<128x32xf32, #tpu.memory_space<vmem>>
    %dma_wait3A_520 = arith.constant 2816 : i32
    %dma_wait3A_521 = tpu.memref_slice %arg5[%dma_wait3A_520] : memref<6400xi32, #tpu.memory_space<vmem>> -> memref<128xi32, #tpu.memory_space<vmem>>
    %dma_wait3A_522 = arith.constant 0 : i32
    %dma_wait3A_523 = arith.constant 0 : i32
    %dma_wait3A_524 = tpu.memref_slice %arg3[%dma_wait3A_522, %dma_wait3A_523] : memref<1000000x32xf32, #tpu.memory_space<hbm>> -> memref<1000000x32xf32, #tpu.memory_space<hbm>>
    tpu.wait_indirect_dma semaphore(%arg8 : memref<!tpu.dma_semaphore, #tpu.memory_space<semaphore_mem>>) src(%dma_wait3A_524 : memref<1000000x32xf32, #tpu.memory_space<hbm>>) dst(%dma_wait3A_519 : memref<128x32xf32, #tpu.memory_space<vmem>>)
    %dma_wait3A_525 = arith.constant 384 : i32
    %dma_wait3A_526 = arith.constant 0 : i32
    %dma_wait3A_527 = tpu.memref_slice %arg6[%dma_wait3A_525, %dma_wait3A_526] : memref<1280x32xf32, #tpu.memory_space<vmem>> -> memref<128x32xf32, #tpu.memory_space<vmem>>
    %dma_wait3A_528 = arith.constant 2944 : i32
    %dma_wait3A_529 = tpu.memref_slice %arg5[%dma_wait3A_528] : memref<6400xi32, #tpu.memory_space<vmem>> -> memref<128xi32, #tpu.memory_space<vmem>>
    %dma_wait3A_530 = arith.constant 0 : i32
    %dma_wait3A_531 = arith.constant 0 : i32
    %dma_wait3A_532 = tpu.memref_slice %arg3[%dma_wait3A_530, %dma_wait3A_531] : memref<1000000x32xf32, #tpu.memory_space<hbm>> -> memref<1000000x32xf32, #tpu.memory_space<hbm>>
    tpu.wait_indirect_dma semaphore(%arg8 : memref<!tpu.dma_semaphore, #tpu.memory_space<semaphore_mem>>) src(%dma_wait3A_532 : memref<1000000x32xf32, #tpu.memory_space<hbm>>) dst(%dma_wait3A_527 : memref<128x32xf32, #tpu.memory_space<vmem>>)
    %dma_wait3A_533 = arith.constant 512 : i32
    %dma_wait3A_534 = arith.constant 0 : i32
    %dma_wait3A_535 = tpu.memref_slice %arg6[%dma_wait3A_533, %dma_wait3A_534] : memref<1280x32xf32, #tpu.memory_space<vmem>> -> memref<128x32xf32, #tpu.memory_space<vmem>>
    %dma_wait3A_536 = arith.constant 3072 : i32
    %dma_wait3A_537 = tpu.memref_slice %arg5[%dma_wait3A_536] : memref<6400xi32, #tpu.memory_space<vmem>> -> memref<128xi32, #tpu.memory_space<vmem>>
    %dma_wait3A_538 = arith.constant 0 : i32
    %dma_wait3A_539 = arith.constant 0 : i32
    %dma_wait3A_540 = tpu.memref_slice %arg3[%dma_wait3A_538, %dma_wait3A_539] : memref<1000000x32xf32, #tpu.memory_space<hbm>> -> memref<1000000x32xf32, #tpu.memory_space<hbm>>
    tpu.wait_indirect_dma semaphore(%arg8 : memref<!tpu.dma_semaphore, #tpu.memory_space<semaphore_mem>>) src(%dma_wait3A_540 : memref<1000000x32xf32, #tpu.memory_space<hbm>>) dst(%dma_wait3A_535 : memref<128x32xf32, #tpu.memory_space<vmem>>)
    %dma_wait3A_541 = arith.constant 640 : i32
    %dma_wait3A_542 = arith.constant 0 : i32
    %dma_wait3A_543 = tpu.memref_slice %arg6[%dma_wait3A_541, %dma_wait3A_542] : memref<1280x32xf32, #tpu.memory_space<vmem>> -> memref<128x32xf32, #tpu.memory_space<vmem>>
    %dma_wait3A_544 = arith.constant 3200 : i32
    %dma_wait3A_545 = tpu.memref_slice %arg5[%dma_wait3A_544] : memref<6400xi32, #tpu.memory_space<vmem>> -> memref<128xi32, #tpu.memory_space<vmem>>
    %dma_wait3A_546 = arith.constant 0 : i32
    %dma_wait3A_547 = arith.constant 0 : i32
    %dma_wait3A_548 = tpu.memref_slice %arg3[%dma_wait3A_546, %dma_wait3A_547] : memref<1000000x32xf32, #tpu.memory_space<hbm>> -> memref<1000000x32xf32, #tpu.memory_space<hbm>>
    tpu.wait_indirect_dma semaphore(%arg8 : memref<!tpu.dma_semaphore, #tpu.memory_space<semaphore_mem>>) src(%dma_wait3A_548 : memref<1000000x32xf32, #tpu.memory_space<hbm>>) dst(%dma_wait3A_543 : memref<128x32xf32, #tpu.memory_space<vmem>>)
    %dma_wait3A_549 = arith.constant 768 : i32
    %dma_wait3A_550 = arith.constant 0 : i32
    %dma_wait3A_551 = tpu.memref_slice %arg6[%dma_wait3A_549, %dma_wait3A_550] : memref<1280x32xf32, #tpu.memory_space<vmem>> -> memref<128x32xf32, #tpu.memory_space<vmem>>
    %dma_wait3A_552 = arith.constant 3328 : i32
    %dma_wait3A_553 = tpu.memref_slice %arg5[%dma_wait3A_552] : memref<6400xi32, #tpu.memory_space<vmem>> -> memref<128xi32, #tpu.memory_space<vmem>>
    %dma_wait3A_554 = arith.constant 0 : i32
    %dma_wait3A_555 = arith.constant 0 : i32
    %dma_wait3A_556 = tpu.memref_slice %arg3[%dma_wait3A_554, %dma_wait3A_555] : memref<1000000x32xf32, #tpu.memory_space<hbm>> -> memref<1000000x32xf32, #tpu.memory_space<hbm>>
    tpu.wait_indirect_dma semaphore(%arg8 : memref<!tpu.dma_semaphore, #tpu.memory_space<semaphore_mem>>) src(%dma_wait3A_556 : memref<1000000x32xf32, #tpu.memory_space<hbm>>) dst(%dma_wait3A_551 : memref<128x32xf32, #tpu.memory_space<vmem>>)
    %dma_wait3A_557 = arith.constant 896 : i32
    %dma_wait3A_558 = arith.constant 0 : i32
    %dma_wait3A_559 = tpu.memref_slice %arg6[%dma_wait3A_557, %dma_wait3A_558] : memref<1280x32xf32, #tpu.memory_space<vmem>> -> memref<128x32xf32, #tpu.memory_space<vmem>>
    %dma_wait3A_560 = arith.constant 3456 : i32
    %dma_wait3A_561 = tpu.memref_slice %arg5[%dma_wait3A_560] : memref<6400xi32, #tpu.memory_space<vmem>> -> memref<128xi32, #tpu.memory_space<vmem>>
    %dma_wait3A_562 = arith.constant 0 : i32
    %dma_wait3A_563 = arith.constant 0 : i32
    %dma_wait3A_564 = tpu.memref_slice %arg3[%dma_wait3A_562, %dma_wait3A_563] : memref<1000000x32xf32, #tpu.memory_space<hbm>> -> memref<1000000x32xf32, #tpu.memory_space<hbm>>
    tpu.wait_indirect_dma semaphore(%arg8 : memref<!tpu.dma_semaphore, #tpu.memory_space<semaphore_mem>>) src(%dma_wait3A_564 : memref<1000000x32xf32, #tpu.memory_space<hbm>>) dst(%dma_wait3A_559 : memref<128x32xf32, #tpu.memory_space<vmem>>)
    %dma_wait3A_565 = arith.constant 1024 : i32
    %dma_wait3A_566 = arith.constant 0 : i32
    %dma_wait3A_567 = tpu.memref_slice %arg6[%dma_wait3A_565, %dma_wait3A_566] : memref<1280x32xf32, #tpu.memory_space<vmem>> -> memref<128x32xf32, #tpu.memory_space<vmem>>
    %dma_wait3A_568 = arith.constant 3584 : i32
    %dma_wait3A_569 = tpu.memref_slice %arg5[%dma_wait3A_568] : memref<6400xi32, #tpu.memory_space<vmem>> -> memref<128xi32, #tpu.memory_space<vmem>>
    %dma_wait3A_570 = arith.constant 0 : i32
    %dma_wait3A_571 = arith.constant 0 : i32
    %dma_wait3A_572 = tpu.memref_slice %arg3[%dma_wait3A_570, %dma_wait3A_571] : memref<1000000x32xf32, #tpu.memory_space<hbm>> -> memref<1000000x32xf32, #tpu.memory_space<hbm>>
    tpu.wait_indirect_dma semaphore(%arg8 : memref<!tpu.dma_semaphore, #tpu.memory_space<semaphore_mem>>) src(%dma_wait3A_572 : memref<1000000x32xf32, #tpu.memory_space<hbm>>) dst(%dma_wait3A_567 : memref<128x32xf32, #tpu.memory_space<vmem>>)
    %dma_wait3A_573 = arith.constant 1152 : i32
    %dma_wait3A_574 = arith.constant 0 : i32
    %dma_wait3A_575 = tpu.memref_slice %arg6[%dma_wait3A_573, %dma_wait3A_574] : memref<1280x32xf32, #tpu.memory_space<vmem>> -> memref<128x32xf32, #tpu.memory_space<vmem>>
    %dma_wait3A_576 = arith.constant 3712 : i32
    %dma_wait3A_577 = tpu.memref_slice %arg5[%dma_wait3A_576] : memref<6400xi32, #tpu.memory_space<vmem>> -> memref<128xi32, #tpu.memory_space<vmem>>
    %dma_wait3A_578 = arith.constant 0 : i32
    %dma_wait3A_579 = arith.constant 0 : i32
    %dma_wait3A_580 = tpu.memref_slice %arg3[%dma_wait3A_578, %dma_wait3A_579] : memref<1000000x32xf32, #tpu.memory_space<hbm>> -> memref<1000000x32xf32, #tpu.memory_space<hbm>>
    tpu.wait_indirect_dma semaphore(%arg8 : memref<!tpu.dma_semaphore, #tpu.memory_space<semaphore_mem>>) src(%dma_wait3A_580 : memref<1000000x32xf32, #tpu.memory_space<hbm>>) dst(%dma_wait3A_575 : memref<128x32xf32, #tpu.memory_space<vmem>>)
    %add3A_581 = arith.constant 2560 : i32
    %add3A_582 = arith.addi %mul3A_2, %add3A_581 : i32
    %dma_start3A_583 = arith.constant 0 : i32
    %dma_start3A_584 = tpu.memref_slice %arg4[%add3A_582, %dma_start3A_583] : memref<204800x32xf32, #tpu.memory_space<hbm>> -> memref<1280x32xf32, #tpu.memory_space<hbm>>
    %dma_start3A_585 = arith.constant 0 : i32
    %dma_start3A_586 = tpu.memref_slice %arg4[%add3A_582, %dma_start3A_585] : memref<204800x32xf32, #tpu.memory_space<hbm>> -> memref<1280x32xf32, #tpu.memory_space<hbm>>
    tpu.enqueue_dma source(%arg6 : memref<1280x32xf32, #tpu.memory_space<vmem>>) target(%dma_start3A_586 : memref<1280x32xf32, #tpu.memory_space<hbm>>) target_semaphore(%arg10 : memref<!tpu.dma_semaphore, #tpu.memory_space<semaphore_mem>>)
    %dma_wait3A_587 = arith.constant 0 : i32
    %dma_wait3A_588 = tpu.memref_slice %arg4[%add3A_582, %dma_wait3A_587] : memref<204800x32xf32, #tpu.memory_space<hbm>> -> memref<1280x32xf32, #tpu.memory_space<hbm>>
    %dma_wait3A_589 = arith.constant 0 : i32
    %dma_wait3A_590 = tpu.memref_slice %arg4[%add3A_582, %dma_wait3A_589] : memref<204800x32xf32, #tpu.memory_space<hbm>> -> memref<1280x32xf32, #tpu.memory_space<hbm>>
    tpu.wait_dma2 semaphore(%arg10 : memref<!tpu.dma_semaphore, #tpu.memory_space<semaphore_mem>>) src(%arg6 : memref<1280x32xf32, #tpu.memory_space<vmem>>) dst(%dma_wait3A_590 : memref<1280x32xf32, #tpu.memory_space<hbm>>)
    %dma_start3A_591 = arith.constant 0 : i32
    %dma_start3A_592 = arith.constant 0 : i32
    %dma_start3A_593 = tpu.memref_slice %arg6[%dma_start3A_591, %dma_start3A_592] : memref<1280x32xf32, #tpu.memory_space<vmem>> -> memref<128x32xf32, #tpu.memory_space<vmem>>
    %dma_start3A_594 = arith.constant 5120 : i32
    %dma_start3A_595 = tpu.memref_slice %arg5[%dma_start3A_594] : memref<6400xi32, #tpu.memory_space<vmem>> -> memref<128xi32, #tpu.memory_space<vmem>>
    %dma_start3A_596 = arith.constant 0 : i32
    %dma_start3A_597 = arith.constant 0 : i32
    %dma_start3A_598 = tpu.memref_slice %arg3[%dma_start3A_596, %dma_start3A_597] : memref<1000000x32xf32, #tpu.memory_space<hbm>> -> memref<1000000x32xf32, #tpu.memory_space<hbm>>
    tpu.enqueue_indirect_dma source(%dma_start3A_598 : memref<1000000x32xf32, #tpu.memory_space<hbm>>) target(%dma_start3A_593 : memref<128x32xf32, #tpu.memory_space<vmem>>) offsets(%dma_start3A_595 : memref<128xi32, #tpu.memory_space<vmem>>) semaphore(%arg8 : memref<!tpu.dma_semaphore, #tpu.memory_space<semaphore_mem>>)
    %dma_start3A_599 = arith.constant 128 : i32
    %dma_start3A_600 = arith.constant 0 : i32
    %dma_start3A_601 = tpu.memref_slice %arg6[%dma_start3A_599, %dma_start3A_600] : memref<1280x32xf32, #tpu.memory_space<vmem>> -> memref<128x32xf32, #tpu.memory_space<vmem>>
    %dma_start3A_602 = arith.constant 5248 : i32
    %dma_start3A_603 = tpu.memref_slice %arg5[%dma_start3A_602] : memref<6400xi32, #tpu.memory_space<vmem>> -> memref<128xi32, #tpu.memory_space<vmem>>
    %dma_start3A_604 = arith.constant 0 : i32
    %dma_start3A_605 = arith.constant 0 : i32
    %dma_start3A_606 = tpu.memref_slice %arg3[%dma_start3A_604, %dma_start3A_605] : memref<1000000x32xf32, #tpu.memory_space<hbm>> -> memref<1000000x32xf32, #tpu.memory_space<hbm>>
    tpu.enqueue_indirect_dma source(%dma_start3A_606 : memref<1000000x32xf32, #tpu.memory_space<hbm>>) target(%dma_start3A_601 : memref<128x32xf32, #tpu.memory_space<vmem>>) offsets(%dma_start3A_603 : memref<128xi32, #tpu.memory_space<vmem>>) semaphore(%arg8 : memref<!tpu.dma_semaphore, #tpu.memory_space<semaphore_mem>>)
    %dma_start3A_607 = arith.constant 256 : i32
    %dma_start3A_608 = arith.constant 0 : i32
    %dma_start3A_609 = tpu.memref_slice %arg6[%dma_start3A_607, %dma_start3A_608] : memref<1280x32xf32, #tpu.memory_space<vmem>> -> memref<128x32xf32, #tpu.memory_space<vmem>>
    %dma_start3A_610 = arith.constant 5376 : i32
    %dma_start3A_611 = tpu.memref_slice %arg5[%dma_start3A_610] : memref<6400xi32, #tpu.memory_space<vmem>> -> memref<128xi32, #tpu.memory_space<vmem>>
    %dma_start3A_612 = arith.constant 0 : i32
    %dma_start3A_613 = arith.constant 0 : i32
    %dma_start3A_614 = tpu.memref_slice %arg3[%dma_start3A_612, %dma_start3A_613] : memref<1000000x32xf32, #tpu.memory_space<hbm>> -> memref<1000000x32xf32, #tpu.memory_space<hbm>>
    tpu.enqueue_indirect_dma source(%dma_start3A_614 : memref<1000000x32xf32, #tpu.memory_space<hbm>>) target(%dma_start3A_609 : memref<128x32xf32, #tpu.memory_space<vmem>>) offsets(%dma_start3A_611 : memref<128xi32, #tpu.memory_space<vmem>>) semaphore(%arg8 : memref<!tpu.dma_semaphore, #tpu.memory_space<semaphore_mem>>)
    %dma_start3A_615 = arith.constant 384 : i32
    %dma_start3A_616 = arith.constant 0 : i32
    %dma_start3A_617 = tpu.memref_slice %arg6[%dma_start3A_615, %dma_start3A_616] : memref<1280x32xf32, #tpu.memory_space<vmem>> -> memref<128x32xf32, #tpu.memory_space<vmem>>
    %dma_start3A_618 = arith.constant 5504 : i32
    %dma_start3A_619 = tpu.memref_slice %arg5[%dma_start3A_618] : memref<6400xi32, #tpu.memory_space<vmem>> -> memref<128xi32, #tpu.memory_space<vmem>>
    %dma_start3A_620 = arith.constant 0 : i32
    %dma_start3A_621 = arith.constant 0 : i32
    %dma_start3A_622 = tpu.memref_slice %arg3[%dma_start3A_620, %dma_start3A_621] : memref<1000000x32xf32, #tpu.memory_space<hbm>> -> memref<1000000x32xf32, #tpu.memory_space<hbm>>
    tpu.enqueue_indirect_dma source(%dma_start3A_622 : memref<1000000x32xf32, #tpu.memory_space<hbm>>) target(%dma_start3A_617 : memref<128x32xf32, #tpu.memory_space<vmem>>) offsets(%dma_start3A_619 : memref<128xi32, #tpu.memory_space<vmem>>) semaphore(%arg8 : memref<!tpu.dma_semaphore, #tpu.memory_space<semaphore_mem>>)
    %dma_start3A_623 = arith.constant 512 : i32
    %dma_start3A_624 = arith.constant 0 : i32
    %dma_start3A_625 = tpu.memref_slice %arg6[%dma_start3A_623, %dma_start3A_624] : memref<1280x32xf32, #tpu.memory_space<vmem>> -> memref<128x32xf32, #tpu.memory_space<vmem>>
    %dma_start3A_626 = arith.constant 5632 : i32
    %dma_start3A_627 = tpu.memref_slice %arg5[%dma_start3A_626] : memref<6400xi32, #tpu.memory_space<vmem>> -> memref<128xi32, #tpu.memory_space<vmem>>
    %dma_start3A_628 = arith.constant 0 : i32
    %dma_start3A_629 = arith.constant 0 : i32
    %dma_start3A_630 = tpu.memref_slice %arg3[%dma_start3A_628, %dma_start3A_629] : memref<1000000x32xf32, #tpu.memory_space<hbm>> -> memref<1000000x32xf32, #tpu.memory_space<hbm>>
    tpu.enqueue_indirect_dma source(%dma_start3A_630 : memref<1000000x32xf32, #tpu.memory_space<hbm>>) target(%dma_start3A_625 : memref<128x32xf32, #tpu.memory_space<vmem>>) offsets(%dma_start3A_627 : memref<128xi32, #tpu.memory_space<vmem>>) semaphore(%arg8 : memref<!tpu.dma_semaphore, #tpu.memory_space<semaphore_mem>>)
    %dma_start3A_631 = arith.constant 640 : i32
    %dma_start3A_632 = arith.constant 0 : i32
    %dma_start3A_633 = tpu.memref_slice %arg6[%dma_start3A_631, %dma_start3A_632] : memref<1280x32xf32, #tpu.memory_space<vmem>> -> memref<128x32xf32, #tpu.memory_space<vmem>>
    %dma_start3A_634 = arith.constant 5760 : i32
    %dma_start3A_635 = tpu.memref_slice %arg5[%dma_start3A_634] : memref<6400xi32, #tpu.memory_space<vmem>> -> memref<128xi32, #tpu.memory_space<vmem>>
    %dma_start3A_636 = arith.constant 0 : i32
    %dma_start3A_637 = arith.constant 0 : i32
    %dma_start3A_638 = tpu.memref_slice %arg3[%dma_start3A_636, %dma_start3A_637] : memref<1000000x32xf32, #tpu.memory_space<hbm>> -> memref<1000000x32xf32, #tpu.memory_space<hbm>>
    tpu.enqueue_indirect_dma source(%dma_start3A_638 : memref<1000000x32xf32, #tpu.memory_space<hbm>>) target(%dma_start3A_633 : memref<128x32xf32, #tpu.memory_space<vmem>>) offsets(%dma_start3A_635 : memref<128xi32, #tpu.memory_space<vmem>>) semaphore(%arg8 : memref<!tpu.dma_semaphore, #tpu.memory_space<semaphore_mem>>)
    %dma_start3A_639 = arith.constant 768 : i32
    %dma_start3A_640 = arith.constant 0 : i32
    %dma_start3A_641 = tpu.memref_slice %arg6[%dma_start3A_639, %dma_start3A_640] : memref<1280x32xf32, #tpu.memory_space<vmem>> -> memref<128x32xf32, #tpu.memory_space<vmem>>
    %dma_start3A_642 = arith.constant 5888 : i32
    %dma_start3A_643 = tpu.memref_slice %arg5[%dma_start3A_642] : memref<6400xi32, #tpu.memory_space<vmem>> -> memref<128xi32, #tpu.memory_space<vmem>>
    %dma_start3A_644 = arith.constant 0 : i32
    %dma_start3A_645 = arith.constant 0 : i32
    %dma_start3A_646 = tpu.memref_slice %arg3[%dma_start3A_644, %dma_start3A_645] : memref<1000000x32xf32, #tpu.memory_space<hbm>> -> memref<1000000x32xf32, #tpu.memory_space<hbm>>
    tpu.enqueue_indirect_dma source(%dma_start3A_646 : memref<1000000x32xf32, #tpu.memory_space<hbm>>) target(%dma_start3A_641 : memref<128x32xf32, #tpu.memory_space<vmem>>) offsets(%dma_start3A_643 : memref<128xi32, #tpu.memory_space<vmem>>) semaphore(%arg8 : memref<!tpu.dma_semaphore, #tpu.memory_space<semaphore_mem>>)
    %dma_start3A_647 = arith.constant 896 : i32
    %dma_start3A_648 = arith.constant 0 : i32
    %dma_start3A_649 = tpu.memref_slice %arg6[%dma_start3A_647, %dma_start3A_648] : memref<1280x32xf32, #tpu.memory_space<vmem>> -> memref<128x32xf32, #tpu.memory_space<vmem>>
    %dma_start3A_650 = arith.constant 6016 : i32
    %dma_start3A_651 = tpu.memref_slice %arg5[%dma_start3A_650] : memref<6400xi32, #tpu.memory_space<vmem>> -> memref<128xi32, #tpu.memory_space<vmem>>
    %dma_start3A_652 = arith.constant 0 : i32
    %dma_start3A_653 = arith.constant 0 : i32
    %dma_start3A_654 = tpu.memref_slice %arg3[%dma_start3A_652, %dma_start3A_653] : memref<1000000x32xf32, #tpu.memory_space<hbm>> -> memref<1000000x32xf32, #tpu.memory_space<hbm>>
    tpu.enqueue_indirect_dma source(%dma_start3A_654 : memref<1000000x32xf32, #tpu.memory_space<hbm>>) target(%dma_start3A_649 : memref<128x32xf32, #tpu.memory_space<vmem>>) offsets(%dma_start3A_651 : memref<128xi32, #tpu.memory_space<vmem>>) semaphore(%arg8 : memref<!tpu.dma_semaphore, #tpu.memory_space<semaphore_mem>>)
    %dma_start3A_655 = arith.constant 1024 : i32
    %dma_start3A_656 = arith.constant 0 : i32
    %dma_start3A_657 = tpu.memref_slice %arg6[%dma_start3A_655, %dma_start3A_656] : memref<1280x32xf32, #tpu.memory_space<vmem>> -> memref<128x32xf32, #tpu.memory_space<vmem>>
    %dma_start3A_658 = arith.constant 6144 : i32
    %dma_start3A_659 = tpu.memref_slice %arg5[%dma_start3A_658] : memref<6400xi32, #tpu.memory_space<vmem>> -> memref<128xi32, #tpu.memory_space<vmem>>
    %dma_start3A_660 = arith.constant 0 : i32
    %dma_start3A_661 = arith.constant 0 : i32
    %dma_start3A_662 = tpu.memref_slice %arg3[%dma_start3A_660, %dma_start3A_661] : memref<1000000x32xf32, #tpu.memory_space<hbm>> -> memref<1000000x32xf32, #tpu.memory_space<hbm>>
    tpu.enqueue_indirect_dma source(%dma_start3A_662 : memref<1000000x32xf32, #tpu.memory_space<hbm>>) target(%dma_start3A_657 : memref<128x32xf32, #tpu.memory_space<vmem>>) offsets(%dma_start3A_659 : memref<128xi32, #tpu.memory_space<vmem>>) semaphore(%arg8 : memref<!tpu.dma_semaphore, #tpu.memory_space<semaphore_mem>>)
    %dma_start3A_663 = arith.constant 1152 : i32
    %dma_start3A_664 = arith.constant 0 : i32
    %dma_start3A_665 = tpu.memref_slice %arg6[%dma_start3A_663, %dma_start3A_664] : memref<1280x32xf32, #tpu.memory_space<vmem>> -> memref<128x32xf32, #tpu.memory_space<vmem>>
    %dma_start3A_666 = arith.constant 6272 : i32
    %dma_start3A_667 = tpu.memref_slice %arg5[%dma_start3A_666] : memref<6400xi32, #tpu.memory_space<vmem>> -> memref<128xi32, #tpu.memory_space<vmem>>
    %dma_start3A_668 = arith.constant 0 : i32
    %dma_start3A_669 = arith.constant 0 : i32
    %dma_start3A_670 = tpu.memref_slice %arg3[%dma_start3A_668, %dma_start3A_669] : memref<1000000x32xf32, #tpu.memory_space<hbm>> -> memref<1000000x32xf32, #tpu.memory_space<hbm>>
    tpu.enqueue_indirect_dma source(%dma_start3A_670 : memref<1000000x32xf32, #tpu.memory_space<hbm>>) target(%dma_start3A_665 : memref<128x32xf32, #tpu.memory_space<vmem>>) offsets(%dma_start3A_667 : memref<128xi32, #tpu.memory_space<vmem>>) semaphore(%arg8 : memref<!tpu.dma_semaphore, #tpu.memory_space<semaphore_mem>>)
    %dma_wait3A_671 = arith.constant 0 : i32
    %dma_wait3A_672 = arith.constant 0 : i32
    %dma_wait3A_673 = tpu.memref_slice %arg7[%dma_wait3A_671, %dma_wait3A_672] : memref<1280x32xf32, #tpu.memory_space<vmem>> -> memref<128x32xf32, #tpu.memory_space<vmem>>
    %dma_wait3A_674 = arith.constant 3840 : i32
    %dma_wait3A_675 = tpu.memref_slice %arg5[%dma_wait3A_674] : memref<6400xi32, #tpu.memory_space<vmem>> -> memref<128xi32, #tpu.memory_space<vmem>>
    %dma_wait3A_676 = arith.constant 0 : i32
    %dma_wait3A_677 = arith.constant 0 : i32
    %dma_wait3A_678 = tpu.memref_slice %arg3[%dma_wait3A_676, %dma_wait3A_677] : memref<1000000x32xf32, #tpu.memory_space<hbm>> -> memref<1000000x32xf32, #tpu.memory_space<hbm>>
    tpu.wait_indirect_dma semaphore(%arg9 : memref<!tpu.dma_semaphore, #tpu.memory_space<semaphore_mem>>) src(%dma_wait3A_678 : memref<1000000x32xf32, #tpu.memory_space<hbm>>) dst(%dma_wait3A_673 : memref<128x32xf32, #tpu.memory_space<vmem>>)
    %dma_wait3A_679 = arith.constant 128 : i32
    %dma_wait3A_680 = arith.constant 0 : i32
    %dma_wait3A_681 = tpu.memref_slice %arg7[%dma_wait3A_679, %dma_wait3A_680] : memref<1280x32xf32, #tpu.memory_space<vmem>> -> memref<128x32xf32, #tpu.memory_space<vmem>>
    %dma_wait3A_682 = arith.constant 3968 : i32
    %dma_wait3A_683 = tpu.memref_slice %arg5[%dma_wait3A_682] : memref<6400xi32, #tpu.memory_space<vmem>> -> memref<128xi32, #tpu.memory_space<vmem>>
    %dma_wait3A_684 = arith.constant 0 : i32
    %dma_wait3A_685 = arith.constant 0 : i32
    %dma_wait3A_686 = tpu.memref_slice %arg3[%dma_wait3A_684, %dma_wait3A_685] : memref<1000000x32xf32, #tpu.memory_space<hbm>> -> memref<1000000x32xf32, #tpu.memory_space<hbm>>
    tpu.wait_indirect_dma semaphore(%arg9 : memref<!tpu.dma_semaphore, #tpu.memory_space<semaphore_mem>>) src(%dma_wait3A_686 : memref<1000000x32xf32, #tpu.memory_space<hbm>>) dst(%dma_wait3A_681 : memref<128x32xf32, #tpu.memory_space<vmem>>)
    %dma_wait3A_687 = arith.constant 256 : i32
    %dma_wait3A_688 = arith.constant 0 : i32
    %dma_wait3A_689 = tpu.memref_slice %arg7[%dma_wait3A_687, %dma_wait3A_688] : memref<1280x32xf32, #tpu.memory_space<vmem>> -> memref<128x32xf32, #tpu.memory_space<vmem>>
    %dma_wait3A_690 = arith.constant 4096 : i32
    %dma_wait3A_691 = tpu.memref_slice %arg5[%dma_wait3A_690] : memref<6400xi32, #tpu.memory_space<vmem>> -> memref<128xi32, #tpu.memory_space<vmem>>
    %dma_wait3A_692 = arith.constant 0 : i32
    %dma_wait3A_693 = arith.constant 0 : i32
    %dma_wait3A_694 = tpu.memref_slice %arg3[%dma_wait3A_692, %dma_wait3A_693] : memref<1000000x32xf32, #tpu.memory_space<hbm>> -> memref<1000000x32xf32, #tpu.memory_space<hbm>>
    tpu.wait_indirect_dma semaphore(%arg9 : memref<!tpu.dma_semaphore, #tpu.memory_space<semaphore_mem>>) src(%dma_wait3A_694 : memref<1000000x32xf32, #tpu.memory_space<hbm>>) dst(%dma_wait3A_689 : memref<128x32xf32, #tpu.memory_space<vmem>>)
    %dma_wait3A_695 = arith.constant 384 : i32
    %dma_wait3A_696 = arith.constant 0 : i32
    %dma_wait3A_697 = tpu.memref_slice %arg7[%dma_wait3A_695, %dma_wait3A_696] : memref<1280x32xf32, #tpu.memory_space<vmem>> -> memref<128x32xf32, #tpu.memory_space<vmem>>
    %dma_wait3A_698 = arith.constant 4224 : i32
    %dma_wait3A_699 = tpu.memref_slice %arg5[%dma_wait3A_698] : memref<6400xi32, #tpu.memory_space<vmem>> -> memref<128xi32, #tpu.memory_space<vmem>>
    %dma_wait3A_700 = arith.constant 0 : i32
    %dma_wait3A_701 = arith.constant 0 : i32
    %dma_wait3A_702 = tpu.memref_slice %arg3[%dma_wait3A_700, %dma_wait3A_701] : memref<1000000x32xf32, #tpu.memory_space<hbm>> -> memref<1000000x32xf32, #tpu.memory_space<hbm>>
    tpu.wait_indirect_dma semaphore(%arg9 : memref<!tpu.dma_semaphore, #tpu.memory_space<semaphore_mem>>) src(%dma_wait3A_702 : memref<1000000x32xf32, #tpu.memory_space<hbm>>) dst(%dma_wait3A_697 : memref<128x32xf32, #tpu.memory_space<vmem>>)
    %dma_wait3A_703 = arith.constant 512 : i32
    %dma_wait3A_704 = arith.constant 0 : i32
    %dma_wait3A_705 = tpu.memref_slice %arg7[%dma_wait3A_703, %dma_wait3A_704] : memref<1280x32xf32, #tpu.memory_space<vmem>> -> memref<128x32xf32, #tpu.memory_space<vmem>>
    %dma_wait3A_706 = arith.constant 4352 : i32
    %dma_wait3A_707 = tpu.memref_slice %arg5[%dma_wait3A_706] : memref<6400xi32, #tpu.memory_space<vmem>> -> memref<128xi32, #tpu.memory_space<vmem>>
    %dma_wait3A_708 = arith.constant 0 : i32
    %dma_wait3A_709 = arith.constant 0 : i32
    %dma_wait3A_710 = tpu.memref_slice %arg3[%dma_wait3A_708, %dma_wait3A_709] : memref<1000000x32xf32, #tpu.memory_space<hbm>> -> memref<1000000x32xf32, #tpu.memory_space<hbm>>
    tpu.wait_indirect_dma semaphore(%arg9 : memref<!tpu.dma_semaphore, #tpu.memory_space<semaphore_mem>>) src(%dma_wait3A_710 : memref<1000000x32xf32, #tpu.memory_space<hbm>>) dst(%dma_wait3A_705 : memref<128x32xf32, #tpu.memory_space<vmem>>)
    %dma_wait3A_711 = arith.constant 640 : i32
    %dma_wait3A_712 = arith.constant 0 : i32
    %dma_wait3A_713 = tpu.memref_slice %arg7[%dma_wait3A_711, %dma_wait3A_712] : memref<1280x32xf32, #tpu.memory_space<vmem>> -> memref<128x32xf32, #tpu.memory_space<vmem>>
    %dma_wait3A_714 = arith.constant 4480 : i32
    %dma_wait3A_715 = tpu.memref_slice %arg5[%dma_wait3A_714] : memref<6400xi32, #tpu.memory_space<vmem>> -> memref<128xi32, #tpu.memory_space<vmem>>
    %dma_wait3A_716 = arith.constant 0 : i32
    %dma_wait3A_717 = arith.constant 0 : i32
    %dma_wait3A_718 = tpu.memref_slice %arg3[%dma_wait3A_716, %dma_wait3A_717] : memref<1000000x32xf32, #tpu.memory_space<hbm>> -> memref<1000000x32xf32, #tpu.memory_space<hbm>>
    tpu.wait_indirect_dma semaphore(%arg9 : memref<!tpu.dma_semaphore, #tpu.memory_space<semaphore_mem>>) src(%dma_wait3A_718 : memref<1000000x32xf32, #tpu.memory_space<hbm>>) dst(%dma_wait3A_713 : memref<128x32xf32, #tpu.memory_space<vmem>>)
    %dma_wait3A_719 = arith.constant 768 : i32
    %dma_wait3A_720 = arith.constant 0 : i32
    %dma_wait3A_721 = tpu.memref_slice %arg7[%dma_wait3A_719, %dma_wait3A_720] : memref<1280x32xf32, #tpu.memory_space<vmem>> -> memref<128x32xf32, #tpu.memory_space<vmem>>
    %dma_wait3A_722 = arith.constant 4608 : i32
    %dma_wait3A_723 = tpu.memref_slice %arg5[%dma_wait3A_722] : memref<6400xi32, #tpu.memory_space<vmem>> -> memref<128xi32, #tpu.memory_space<vmem>>
    %dma_wait3A_724 = arith.constant 0 : i32
    %dma_wait3A_725 = arith.constant 0 : i32
    %dma_wait3A_726 = tpu.memref_slice %arg3[%dma_wait3A_724, %dma_wait3A_725] : memref<1000000x32xf32, #tpu.memory_space<hbm>> -> memref<1000000x32xf32, #tpu.memory_space<hbm>>
    tpu.wait_indirect_dma semaphore(%arg9 : memref<!tpu.dma_semaphore, #tpu.memory_space<semaphore_mem>>) src(%dma_wait3A_726 : memref<1000000x32xf32, #tpu.memory_space<hbm>>) dst(%dma_wait3A_721 : memref<128x32xf32, #tpu.memory_space<vmem>>)
    %dma_wait3A_727 = arith.constant 896 : i32
    %dma_wait3A_728 = arith.constant 0 : i32
    %dma_wait3A_729 = tpu.memref_slice %arg7[%dma_wait3A_727, %dma_wait3A_728] : memref<1280x32xf32, #tpu.memory_space<vmem>> -> memref<128x32xf32, #tpu.memory_space<vmem>>
    %dma_wait3A_730 = arith.constant 4736 : i32
    %dma_wait3A_731 = tpu.memref_slice %arg5[%dma_wait3A_730] : memref<6400xi32, #tpu.memory_space<vmem>> -> memref<128xi32, #tpu.memory_space<vmem>>
    %dma_wait3A_732 = arith.constant 0 : i32
    %dma_wait3A_733 = arith.constant 0 : i32
    %dma_wait3A_734 = tpu.memref_slice %arg3[%dma_wait3A_732, %dma_wait3A_733] : memref<1000000x32xf32, #tpu.memory_space<hbm>> -> memref<1000000x32xf32, #tpu.memory_space<hbm>>
    tpu.wait_indirect_dma semaphore(%arg9 : memref<!tpu.dma_semaphore, #tpu.memory_space<semaphore_mem>>) src(%dma_wait3A_734 : memref<1000000x32xf32, #tpu.memory_space<hbm>>) dst(%dma_wait3A_729 : memref<128x32xf32, #tpu.memory_space<vmem>>)
    %dma_wait3A_735 = arith.constant 1024 : i32
    %dma_wait3A_736 = arith.constant 0 : i32
    %dma_wait3A_737 = tpu.memref_slice %arg7[%dma_wait3A_735, %dma_wait3A_736] : memref<1280x32xf32, #tpu.memory_space<vmem>> -> memref<128x32xf32, #tpu.memory_space<vmem>>
    %dma_wait3A_738 = arith.constant 4864 : i32
    %dma_wait3A_739 = tpu.memref_slice %arg5[%dma_wait3A_738] : memref<6400xi32, #tpu.memory_space<vmem>> -> memref<128xi32, #tpu.memory_space<vmem>>
    %dma_wait3A_740 = arith.constant 0 : i32
    %dma_wait3A_741 = arith.constant 0 : i32
    %dma_wait3A_742 = tpu.memref_slice %arg3[%dma_wait3A_740, %dma_wait3A_741] : memref<1000000x32xf32, #tpu.memory_space<hbm>> -> memref<1000000x32xf32, #tpu.memory_space<hbm>>
    tpu.wait_indirect_dma semaphore(%arg9 : memref<!tpu.dma_semaphore, #tpu.memory_space<semaphore_mem>>) src(%dma_wait3A_742 : memref<1000000x32xf32, #tpu.memory_space<hbm>>) dst(%dma_wait3A_737 : memref<128x32xf32, #tpu.memory_space<vmem>>)
    %dma_wait3A_743 = arith.constant 1152 : i32
    %dma_wait3A_744 = arith.constant 0 : i32
    %dma_wait3A_745 = tpu.memref_slice %arg7[%dma_wait3A_743, %dma_wait3A_744] : memref<1280x32xf32, #tpu.memory_space<vmem>> -> memref<128x32xf32, #tpu.memory_space<vmem>>
    %dma_wait3A_746 = arith.constant 4992 : i32
    %dma_wait3A_747 = tpu.memref_slice %arg5[%dma_wait3A_746] : memref<6400xi32, #tpu.memory_space<vmem>> -> memref<128xi32, #tpu.memory_space<vmem>>
    %dma_wait3A_748 = arith.constant 0 : i32
    %dma_wait3A_749 = arith.constant 0 : i32
    %dma_wait3A_750 = tpu.memref_slice %arg3[%dma_wait3A_748, %dma_wait3A_749] : memref<1000000x32xf32, #tpu.memory_space<hbm>> -> memref<1000000x32xf32, #tpu.memory_space<hbm>>
    tpu.wait_indirect_dma semaphore(%arg9 : memref<!tpu.dma_semaphore, #tpu.memory_space<semaphore_mem>>) src(%dma_wait3A_750 : memref<1000000x32xf32, #tpu.memory_space<hbm>>) dst(%dma_wait3A_745 : memref<128x32xf32, #tpu.memory_space<vmem>>)
    %add3A_751 = arith.constant 3840 : i32
    %add3A_752 = arith.addi %mul3A_2, %add3A_751 : i32
    %dma_start3A_753 = arith.constant 0 : i32
    %dma_start3A_754 = tpu.memref_slice %arg4[%add3A_752, %dma_start3A_753] : memref<204800x32xf32, #tpu.memory_space<hbm>> -> memref<1280x32xf32, #tpu.memory_space<hbm>>
    %dma_start3A_755 = arith.constant 0 : i32
    %dma_start3A_756 = tpu.memref_slice %arg4[%add3A_752, %dma_start3A_755] : memref<204800x32xf32, #tpu.memory_space<hbm>> -> memref<1280x32xf32, #tpu.memory_space<hbm>>
    tpu.enqueue_dma source(%arg7 : memref<1280x32xf32, #tpu.memory_space<vmem>>) target(%dma_start3A_756 : memref<1280x32xf32, #tpu.memory_space<hbm>>) target_semaphore(%arg11 : memref<!tpu.dma_semaphore, #tpu.memory_space<semaphore_mem>>)
    %dma_wait3A_757 = arith.constant 0 : i32
    %dma_wait3A_758 = arith.constant 0 : i32
    %dma_wait3A_759 = tpu.memref_slice %arg6[%dma_wait3A_757, %dma_wait3A_758] : memref<1280x32xf32, #tpu.memory_space<vmem>> -> memref<128x32xf32, #tpu.memory_space<vmem>>
    %dma_wait3A_760 = arith.constant 5120 : i32
    %dma_wait3A_761 = tpu.memref_slice %arg5[%dma_wait3A_760] : memref<6400xi32, #tpu.memory_space<vmem>> -> memref<128xi32, #tpu.memory_space<vmem>>
    %dma_wait3A_762 = arith.constant 0 : i32
    %dma_wait3A_763 = arith.constant 0 : i32
    %dma_wait3A_764 = tpu.memref_slice %arg3[%dma_wait3A_762, %dma_wait3A_763] : memref<1000000x32xf32, #tpu.memory_space<hbm>> -> memref<1000000x32xf32, #tpu.memory_space<hbm>>
    tpu.wait_indirect_dma semaphore(%arg8 : memref<!tpu.dma_semaphore, #tpu.memory_space<semaphore_mem>>) src(%dma_wait3A_764 : memref<1000000x32xf32, #tpu.memory_space<hbm>>) dst(%dma_wait3A_759 : memref<128x32xf32, #tpu.memory_space<vmem>>)
    %dma_wait3A_765 = arith.constant 128 : i32
    %dma_wait3A_766 = arith.constant 0 : i32
    %dma_wait3A_767 = tpu.memref_slice %arg6[%dma_wait3A_765, %dma_wait3A_766] : memref<1280x32xf32, #tpu.memory_space<vmem>> -> memref<128x32xf32, #tpu.memory_space<vmem>>
    %dma_wait3A_768 = arith.constant 5248 : i32
    %dma_wait3A_769 = tpu.memref_slice %arg5[%dma_wait3A_768] : memref<6400xi32, #tpu.memory_space<vmem>> -> memref<128xi32, #tpu.memory_space<vmem>>
    %dma_wait3A_770 = arith.constant 0 : i32
    %dma_wait3A_771 = arith.constant 0 : i32
    %dma_wait3A_772 = tpu.memref_slice %arg3[%dma_wait3A_770, %dma_wait3A_771] : memref<1000000x32xf32, #tpu.memory_space<hbm>> -> memref<1000000x32xf32, #tpu.memory_space<hbm>>
    tpu.wait_indirect_dma semaphore(%arg8 : memref<!tpu.dma_semaphore, #tpu.memory_space<semaphore_mem>>) src(%dma_wait3A_772 : memref<1000000x32xf32, #tpu.memory_space<hbm>>) dst(%dma_wait3A_767 : memref<128x32xf32, #tpu.memory_space<vmem>>)
    %dma_wait3A_773 = arith.constant 256 : i32
    %dma_wait3A_774 = arith.constant 0 : i32
    %dma_wait3A_775 = tpu.memref_slice %arg6[%dma_wait3A_773, %dma_wait3A_774] : memref<1280x32xf32, #tpu.memory_space<vmem>> -> memref<128x32xf32, #tpu.memory_space<vmem>>
    %dma_wait3A_776 = arith.constant 5376 : i32
    %dma_wait3A_777 = tpu.memref_slice %arg5[%dma_wait3A_776] : memref<6400xi32, #tpu.memory_space<vmem>> -> memref<128xi32, #tpu.memory_space<vmem>>
    %dma_wait3A_778 = arith.constant 0 : i32
    %dma_wait3A_779 = arith.constant 0 : i32
    %dma_wait3A_780 = tpu.memref_slice %arg3[%dma_wait3A_778, %dma_wait3A_779] : memref<1000000x32xf32, #tpu.memory_space<hbm>> -> memref<1000000x32xf32, #tpu.memory_space<hbm>>
    tpu.wait_indirect_dma semaphore(%arg8 : memref<!tpu.dma_semaphore, #tpu.memory_space<semaphore_mem>>) src(%dma_wait3A_780 : memref<1000000x32xf32, #tpu.memory_space<hbm>>) dst(%dma_wait3A_775 : memref<128x32xf32, #tpu.memory_space<vmem>>)
    %dma_wait3A_781 = arith.constant 384 : i32
    %dma_wait3A_782 = arith.constant 0 : i32
    %dma_wait3A_783 = tpu.memref_slice %arg6[%dma_wait3A_781, %dma_wait3A_782] : memref<1280x32xf32, #tpu.memory_space<vmem>> -> memref<128x32xf32, #tpu.memory_space<vmem>>
    %dma_wait3A_784 = arith.constant 5504 : i32
    %dma_wait3A_785 = tpu.memref_slice %arg5[%dma_wait3A_784] : memref<6400xi32, #tpu.memory_space<vmem>> -> memref<128xi32, #tpu.memory_space<vmem>>
    %dma_wait3A_786 = arith.constant 0 : i32
    %dma_wait3A_787 = arith.constant 0 : i32
    %dma_wait3A_788 = tpu.memref_slice %arg3[%dma_wait3A_786, %dma_wait3A_787] : memref<1000000x32xf32, #tpu.memory_space<hbm>> -> memref<1000000x32xf32, #tpu.memory_space<hbm>>
    tpu.wait_indirect_dma semaphore(%arg8 : memref<!tpu.dma_semaphore, #tpu.memory_space<semaphore_mem>>) src(%dma_wait3A_788 : memref<1000000x32xf32, #tpu.memory_space<hbm>>) dst(%dma_wait3A_783 : memref<128x32xf32, #tpu.memory_space<vmem>>)
    %dma_wait3A_789 = arith.constant 512 : i32
    %dma_wait3A_790 = arith.constant 0 : i32
    %dma_wait3A_791 = tpu.memref_slice %arg6[%dma_wait3A_789, %dma_wait3A_790] : memref<1280x32xf32, #tpu.memory_space<vmem>> -> memref<128x32xf32, #tpu.memory_space<vmem>>
    %dma_wait3A_792 = arith.constant 5632 : i32
    %dma_wait3A_793 = tpu.memref_slice %arg5[%dma_wait3A_792] : memref<6400xi32, #tpu.memory_space<vmem>> -> memref<128xi32, #tpu.memory_space<vmem>>
    %dma_wait3A_794 = arith.constant 0 : i32
    %dma_wait3A_795 = arith.constant 0 : i32
    %dma_wait3A_796 = tpu.memref_slice %arg3[%dma_wait3A_794, %dma_wait3A_795] : memref<1000000x32xf32, #tpu.memory_space<hbm>> -> memref<1000000x32xf32, #tpu.memory_space<hbm>>
    tpu.wait_indirect_dma semaphore(%arg8 : memref<!tpu.dma_semaphore, #tpu.memory_space<semaphore_mem>>) src(%dma_wait3A_796 : memref<1000000x32xf32, #tpu.memory_space<hbm>>) dst(%dma_wait3A_791 : memref<128x32xf32, #tpu.memory_space<vmem>>)
    %dma_wait3A_797 = arith.constant 640 : i32
    %dma_wait3A_798 = arith.constant 0 : i32
    %dma_wait3A_799 = tpu.memref_slice %arg6[%dma_wait3A_797, %dma_wait3A_798] : memref<1280x32xf32, #tpu.memory_space<vmem>> -> memref<128x32xf32, #tpu.memory_space<vmem>>
    %dma_wait3A_800 = arith.constant 5760 : i32
    %dma_wait3A_801 = tpu.memref_slice %arg5[%dma_wait3A_800] : memref<6400xi32, #tpu.memory_space<vmem>> -> memref<128xi32, #tpu.memory_space<vmem>>
    %dma_wait3A_802 = arith.constant 0 : i32
    %dma_wait3A_803 = arith.constant 0 : i32
    %dma_wait3A_804 = tpu.memref_slice %arg3[%dma_wait3A_802, %dma_wait3A_803] : memref<1000000x32xf32, #tpu.memory_space<hbm>> -> memref<1000000x32xf32, #tpu.memory_space<hbm>>
    tpu.wait_indirect_dma semaphore(%arg8 : memref<!tpu.dma_semaphore, #tpu.memory_space<semaphore_mem>>) src(%dma_wait3A_804 : memref<1000000x32xf32, #tpu.memory_space<hbm>>) dst(%dma_wait3A_799 : memref<128x32xf32, #tpu.memory_space<vmem>>)
    %dma_wait3A_805 = arith.constant 768 : i32
    %dma_wait3A_806 = arith.constant 0 : i32
    %dma_wait3A_807 = tpu.memref_slice %arg6[%dma_wait3A_805, %dma_wait3A_806] : memref<1280x32xf32, #tpu.memory_space<vmem>> -> memref<128x32xf32, #tpu.memory_space<vmem>>
    %dma_wait3A_808 = arith.constant 5888 : i32
    %dma_wait3A_809 = tpu.memref_slice %arg5[%dma_wait3A_808] : memref<6400xi32, #tpu.memory_space<vmem>> -> memref<128xi32, #tpu.memory_space<vmem>>
    %dma_wait3A_810 = arith.constant 0 : i32
    %dma_wait3A_811 = arith.constant 0 : i32
    %dma_wait3A_812 = tpu.memref_slice %arg3[%dma_wait3A_810, %dma_wait3A_811] : memref<1000000x32xf32, #tpu.memory_space<hbm>> -> memref<1000000x32xf32, #tpu.memory_space<hbm>>
    tpu.wait_indirect_dma semaphore(%arg8 : memref<!tpu.dma_semaphore, #tpu.memory_space<semaphore_mem>>) src(%dma_wait3A_812 : memref<1000000x32xf32, #tpu.memory_space<hbm>>) dst(%dma_wait3A_807 : memref<128x32xf32, #tpu.memory_space<vmem>>)
    %dma_wait3A_813 = arith.constant 896 : i32
    %dma_wait3A_814 = arith.constant 0 : i32
    %dma_wait3A_815 = tpu.memref_slice %arg6[%dma_wait3A_813, %dma_wait3A_814] : memref<1280x32xf32, #tpu.memory_space<vmem>> -> memref<128x32xf32, #tpu.memory_space<vmem>>
    %dma_wait3A_816 = arith.constant 6016 : i32
    %dma_wait3A_817 = tpu.memref_slice %arg5[%dma_wait3A_816] : memref<6400xi32, #tpu.memory_space<vmem>> -> memref<128xi32, #tpu.memory_space<vmem>>
    %dma_wait3A_818 = arith.constant 0 : i32
    %dma_wait3A_819 = arith.constant 0 : i32
    %dma_wait3A_820 = tpu.memref_slice %arg3[%dma_wait3A_818, %dma_wait3A_819] : memref<1000000x32xf32, #tpu.memory_space<hbm>> -> memref<1000000x32xf32, #tpu.memory_space<hbm>>
    tpu.wait_indirect_dma semaphore(%arg8 : memref<!tpu.dma_semaphore, #tpu.memory_space<semaphore_mem>>) src(%dma_wait3A_820 : memref<1000000x32xf32, #tpu.memory_space<hbm>>) dst(%dma_wait3A_815 : memref<128x32xf32, #tpu.memory_space<vmem>>)
    %dma_wait3A_821 = arith.constant 1024 : i32
    %dma_wait3A_822 = arith.constant 0 : i32
    %dma_wait3A_823 = tpu.memref_slice %arg6[%dma_wait3A_821, %dma_wait3A_822] : memref<1280x32xf32, #tpu.memory_space<vmem>> -> memref<128x32xf32, #tpu.memory_space<vmem>>
    %dma_wait3A_824 = arith.constant 6144 : i32
    %dma_wait3A_825 = tpu.memref_slice %arg5[%dma_wait3A_824] : memref<6400xi32, #tpu.memory_space<vmem>> -> memref<128xi32, #tpu.memory_space<vmem>>
    %dma_wait3A_826 = arith.constant 0 : i32
    %dma_wait3A_827 = arith.constant 0 : i32
    %dma_wait3A_828 = tpu.memref_slice %arg3[%dma_wait3A_826, %dma_wait3A_827] : memref<1000000x32xf32, #tpu.memory_space<hbm>> -> memref<1000000x32xf32, #tpu.memory_space<hbm>>
    tpu.wait_indirect_dma semaphore(%arg8 : memref<!tpu.dma_semaphore, #tpu.memory_space<semaphore_mem>>) src(%dma_wait3A_828 : memref<1000000x32xf32, #tpu.memory_space<hbm>>) dst(%dma_wait3A_823 : memref<128x32xf32, #tpu.memory_space<vmem>>)
    %dma_wait3A_829 = arith.constant 1152 : i32
    %dma_wait3A_830 = arith.constant 0 : i32
    %dma_wait3A_831 = tpu.memref_slice %arg6[%dma_wait3A_829, %dma_wait3A_830] : memref<1280x32xf32, #tpu.memory_space<vmem>> -> memref<128x32xf32, #tpu.memory_space<vmem>>
    %dma_wait3A_832 = arith.constant 6272 : i32
    %dma_wait3A_833 = tpu.memref_slice %arg5[%dma_wait3A_832] : memref<6400xi32, #tpu.memory_space<vmem>> -> memref<128xi32, #tpu.memory_space<vmem>>
    %dma_wait3A_834 = arith.constant 0 : i32
    %dma_wait3A_835 = arith.constant 0 : i32
    %dma_wait3A_836 = tpu.memref_slice %arg3[%dma_wait3A_834, %dma_wait3A_835] : memref<1000000x32xf32, #tpu.memory_space<hbm>> -> memref<1000000x32xf32, #tpu.memory_space<hbm>>
    tpu.wait_indirect_dma semaphore(%arg8 : memref<!tpu.dma_semaphore, #tpu.memory_space<semaphore_mem>>) src(%dma_wait3A_836 : memref<1000000x32xf32, #tpu.memory_space<hbm>>) dst(%dma_wait3A_831 : memref<128x32xf32, #tpu.memory_space<vmem>>)
    %add3A_837 = arith.constant 5120 : i32
    %add3A_838 = arith.addi %mul3A_2, %add3A_837 : i32
    %dma_start3A_839 = arith.constant 0 : i32
    %dma_start3A_840 = tpu.memref_slice %arg4[%add3A_838, %dma_start3A_839] : memref<204800x32xf32, #tpu.memory_space<hbm>> -> memref<1280x32xf32, #tpu.memory_space<hbm>>
    %dma_start3A_841 = arith.constant 0 : i32
    %dma_start3A_842 = tpu.memref_slice %arg4[%add3A_838, %dma_start3A_841] : memref<204800x32xf32, #tpu.memory_space<hbm>> -> memref<1280x32xf32, #tpu.memory_space<hbm>>
    tpu.enqueue_dma source(%arg6 : memref<1280x32xf32, #tpu.memory_space<vmem>>) target(%dma_start3A_842 : memref<1280x32xf32, #tpu.memory_space<hbm>>) target_semaphore(%arg10 : memref<!tpu.dma_semaphore, #tpu.memory_space<semaphore_mem>>)
    %dma_wait3A_843 = arith.constant 0 : i32
    %dma_wait3A_844 = tpu.memref_slice %arg4[%add3A_838, %dma_wait3A_843] : memref<204800x32xf32, #tpu.memory_space<hbm>> -> memref<1280x32xf32, #tpu.memory_space<hbm>>
    %dma_wait3A_845 = arith.constant 0 : i32
    %dma_wait3A_846 = tpu.memref_slice %arg4[%add3A_838, %dma_wait3A_845] : memref<204800x32xf32, #tpu.memory_space<hbm>> -> memref<1280x32xf32, #tpu.memory_space<hbm>>
    tpu.wait_dma2 semaphore(%arg10 : memref<!tpu.dma_semaphore, #tpu.memory_space<semaphore_mem>>) src(%arg6 : memref<1280x32xf32, #tpu.memory_space<vmem>>) dst(%dma_wait3A_846 : memref<1280x32xf32, #tpu.memory_space<hbm>>)
    %dma_wait3A_847 = arith.constant 0 : i32
    %dma_wait3A_848 = tpu.memref_slice %arg4[%add3A_752, %dma_wait3A_847] : memref<204800x32xf32, #tpu.memory_space<hbm>> -> memref<1280x32xf32, #tpu.memory_space<hbm>>
    %dma_wait3A_849 = arith.constant 0 : i32
    %dma_wait3A_850 = tpu.memref_slice %arg4[%add3A_752, %dma_wait3A_849] : memref<204800x32xf32, #tpu.memory_space<hbm>> -> memref<1280x32xf32, #tpu.memory_space<hbm>>
    tpu.wait_dma2 semaphore(%arg11 : memref<!tpu.dma_semaphore, #tpu.memory_space<semaphore_mem>>) src(%arg7 : memref<1280x32xf32, #tpu.memory_space<vmem>>) dst(%dma_wait3A_850 : memref<1280x32xf32, #tpu.memory_space<hbm>>)
    return
  }
}

</mosaic_0001>

<sc_bundles>
// kernel: kernel.3.cloned.1.call-start
scs
__scs_entry_jumppad:
0x0: {  	(pc) =	sbr.rel $0x88, $3  }
0x1: {  	(tag) =	ssettag $0x0;
	lr =	simm.s32 $0x1  }
0x2: {  	[smem:$0x3F9F] =	sst lr;
	_ =	strace $0xD0000000  }
0x3: {  	_ = 	snop  }
0x4: {  	_ = 	snop  }
0x5: {  	_ = 	snop  }
0x6: {  	_ = 	snop  }
0x7: {  	_ = 	snop  }
__scs_overlays_trampoline_lowered:
0x8: {  	[smem:$0x3FAE] =	sst s0  }
0x9: {  	[smem:$0x3FAF] =	sst s1  }
0xa: {  	[smem:$0x3FB0] =	sst s2  }
0xb: {  	[smem:$0x3FB1] =	sst s3  }
0xc: {  	[smem:$0x3FB2] =	sst s4  }
0xd: {  	[smem:$0x3FB3] =	sst s5  }
0xe: {  	[smem:$0x3FB4] =	sst s6  }
0xf: {  	[smem:$0x3FB5] =	sst s7  }
0x10: {  	[smem:$0x3FB6] =	sst s8  }
0x11: {  	[smem:$0x3FB7] =	sst s9;
	s0 =	simm.s32 @!p0 $0x0  }
0x12: {  	s1 =	sld [smem:$0x3F9D];
	s0 =	simm.s32 @p0 $0x1  }
0x13: {  	[smem:$0x3FB8] =	sst s0;
	s0 =	simm.s32 @!p1 $0x0  }
0x14: {  	s2 =	sld [smem:$0x3F9C];
	s0 =	simm.s32 @p1 $0x1  }
0x15: {  	[smem:$0x3FB9] =	sst s0;
	s0 =	simm.s32 @!p2 $0x0  }
0x16: {  	s3 =	sld [smem:$0x3FDB];
	s0 =	simm.s32 @p2 $0x1  }
0x17: {  	s4 =	simm.s32 $0x1BF5;
	[smem:$0x3FBB] =	sst s0  }
0x18: {  	s0 =	sld [smem:$0x3F9E];
	_ =	swait.ge [sflag:s4], $0x0  }
0x19: {  	s7 =	sld [smem:$0x3F9F]  }
0x1a: {  	s8 =	sadd.s32 $0xFFFFE003, lr  }
0x1b: {  	s9 =	sadd.s32 $0xFFFFFEF7, lr;
	s5 =	simm.s32 $0xFFFFFFFF;
	p2 =	slt.u32 s8, $0xFFFFF086  }
0x1c: {  	p1 =	slt.u32 s9, $0xF7A;
	s5 =	simm.s32 @!p2 $0x0  }
0x1d: {  	s5 =	simm.s32 @p1 $0x1;
	p0 =	seq.s32 s7, s2  }
0x1e: {  	s7 =	smul.u32 @!p0 $0xF7A, s2;
	p2 =	seq.s32 @!p0 s5, $0x0  }
0x1f: {  	s9 =	smul.u32 $0xF7A, s1;
	s8 =	simm.s32 @!p0 $0x1BF5;
	p2 =	por !p2, p0  }
0x20: {  	[sflag:s8] =	ssyncset.s32 @!p0 $0xFFFFF086;
	s6 =	sadd.s32 @!p0 s3, s7;
	s7 =	simm.s32 @!p0 $0x108  }
0x21: {  	s3 =	sadd.s32 s3, s9;
	s6 =	sadd.s32 @!p0 $0x88, s6;
	s7 =	simm.s32 @p2 $0x1082  }
0x22: {  	[simem:s7], [sflag:s8] =	dma.local @!p0 [hbm:s6], $0xF7A  }
0x23: {  	s9 =	sor.u32 $0xD0000000, s2;
	s6 =	simm.s32 $0x108;
	_ =	swait.ge @!p0 [sflag:s8], $0x0  }
0x24: {  	s3 =	sadd.s32 $0x88, s3;
	s6 =	simm.s32 @!p1 $0x1082;
	[sflag:s4] =	ssyncset.s32 $0xFFFFF086  }
0x25: {  	[simem:s6], [sflag:s4] =	dma.local [hbm:s3], $0xF7A  }
0x26: {  	[smem:$0x3F9F] =	sst s1;
	(tag) =	ssettag s2;
	_ =	strace s9  }
0x27: {  	s1 =	sld [smem:$0x3FAF]  }
0x28: {  	s2 =	sld [smem:$0x3FB0]  }
0x29: {  	s4 =	sld [smem:$0x3FB2]  }
0x2a: {  	p0 =	seq.s32 s5, $0x0;
	s5 =	sld [smem:$0x3FB3]  }
0x2b: {  	s6 =	sld [smem:$0x3FB4]  }
0x2c: {  	s7 =	sld [smem:$0x3FB5]  }
0x2d: {  	s3 =	simm.s32 $0x108;
	s8 =	sld [smem:$0x3FB6]  }
0x2e: {  	s3 =	simm.s32 @!p0 $0x1082;
	s9 =	sld [smem:$0x3FB7]  }
0x2f: {  	lr =	sadd.s32 s0, s3;
	s0 =	sld [smem:$0x3FAE]  }
0x30: {  	s3 =	sld [smem:$0x3FB1]  }
0x31: {  	[smem:$0x3FBA] =	sst s10  }
0x32: {  	s10 =	sld [smem:$0x3FB8];
	_ =	sdelay $0x3  }
0x33: {  	p0 =	seq.s32 s10, $0x1;
	s10 =	sld [smem:$0x3FBA];
	_ =	sdelay $0x3  }
0x34: {  	[smem:$0x3FBA] =	sst s10  }
0x35: {  	s10 =	sld [smem:$0x3FB9];
	_ =	sdelay $0x3  }
0x36: {  	p1 =	seq.s32 s10, $0x1;
	s10 =	sld [smem:$0x3FBA];
	_ =	sdelay $0x3  }
0x37: {  	[smem:$0x3FBA] =	sst s10  }
0x38: {  	s10 =	sld [smem:$0x3FBB]  }
0x39: {  	_ = 	snop;
	(pc) =	sbr.ind lr, $3  }
0x3a: {  	_ = 	snop  }
0x3b: {  	_ = 	snop  }
0x3c: {  	p2 =	seq.s32 s10, $0x1;
	s10 =	sld [smem:$0x3FBA]  }
0x3d: {  	_ =	shalt  }
0x3e: {  	_ =	shalt  }
0x3f: {  	_ =	shalt  }
0x40: {  	_ =	shalt  }
0x41: {  	_ =	shalt  }
0x42: {  	_ =	shalt  }
0x43: {  	_ =	shalt  }
0x44: {  	_ =	shalt  }
0x45: {  	_ =	shalt  }
0x46: {  	_ =	shalt  }
0x47: {  	_ =	shalt  }
0x48: {  	_ =	shalt  }
0x49: {  	_ =	shalt  }
0x4a: {  	_ =	shalt  }
0x4b: {  	_ =	shalt  }
0x4c: {  	_ =	shalt  }
0x4d: {  	_ =	shalt  }
0x4e: {  	_ =	shalt  }
0x4f: {  	_ =	shalt  }
0x50: {  	_ =	shalt  }
0x51: {  	_ =	shalt  }
0x52: {  	_ =	shalt  }
0x53: {  	_ =	shalt  }
0x54: {  	_ =	shalt  }
0x55: {  	_ =	shalt  }
0x56: {  	_ =	shalt  }
0x57: {  	_ =	shalt  }
0x58: {  	_ =	shalt  }
0x59: {  	_ =	shalt  }
0x5a: {  	_ =	shalt  }
0x5b: {  	_ =	shalt  }
0x5c: {  	_ =	shalt  }
0x5d: {  	_ =	shalt  }
0x5e: {  	_ =	shalt  }
0x5f: {  	_ =	shalt  }
0x60: {  	_ =	shalt  }
0x61: {  	_ =	shalt  }
0x62: {  	_ =	shalt  }
0x63: {  	_ =	shalt  }
0x64: {  	_ =	shalt  }
0x65: {  	_ =	shalt  }
0x66: {  	_ =	shalt  }
0x67: {  	_ =	shalt  }
0x68: {  	_ =	shalt  }
0x69: {  	_ =	shalt  }
0x6a: {  	_ =	shalt  }
0x6b: {  	_ =	shalt  }
0x6c: {  	_ =	shalt  }
0x6d: {  	_ =	shalt  }
0x6e: {  	_ =	shalt  }
0x6f: {  	_ =	shalt  }
0x70: {  	_ =	shalt  }
0x71: {  	_ =	shalt  }
0x72: {  	_ =	shalt  }
0x73: {  	_ =	shalt  }
0x74: {  	_ =	shalt  }
0x75: {  	_ =	shalt  }
0x76: {  	_ =	shalt  }
0x77: {  	_ =	shalt  }
0x78: {  	_ =	shalt  }
0x79: {  	_ =	shalt  }
0x7a: {  	_ =	shalt  }
0x7b: {  	_ =	shalt  }
0x7c: {  	_ =	shalt  }
0x7d: {  	_ =	shalt  }
0x7e: {  	_ =	shalt  }
0x7f: {  	_ =	shalt  }
0x80: {  	_ =	shalt  }
0x81: {  	_ =	shalt  }
0x82: {  	_ =	shalt  }
0x83: {  	_ =	shalt  }
0x84: {  	_ =	shalt  }
0x85: {  	_ =	shalt  }
0x86: {  	_ =	shalt  }
0x87: {  	_ =	shalt  }
.Lfunc_end0:
.L_simem_size_0:
called_computation_lowered:
.L_overlay_start_0:
0x88: {  	s2 =	sld [smem:$0x3FD9]  }
0x89: {  	s3 =	sld [smem:$0x3FFE];
	_ =	sdelay $0x1  }
0x8a: {  	s1 =	srdreg.scid  }
0x8b: {  	s0 =	sand.u32 $0x1, s1  }
0x8c: {  	s17 =	sshll.u32 s0, $0xA;
	s2 =	sadd.s32 s3, s2  }
0x8d: {  	s2 =	sadd.s32 s2, s17  }
0x8e: {  	[smem:$0x3FC6] =	sst s2  }
0x8f: {  	_ = 	snop  }
0x90: {  	s2 =	sld [smem:$0x3FC9]  }
0x91: {  	s18 =	sld [smem:$0x3FD0];
	(tm) =	ssettm $0x1  }
0x92: {  	s4 =	sld [smem:$0x3FFB];
	_ =	sdelay $0x3  }
0x93: {  	_ =	strace s4  }
0x94: {  	s4 =	sld [smem:$0x3FFC];
	_ =	sdelay $0x3  }
0x95: {  	_ =	strace s4  }
0x96: {  	s4 =	sld [smem:$0x3FFD];
	_ =	sdelay $0x3  }
0x97: {  	_ =	strace s4  }
0x98: {  	_ =	strace $0x8FFFFFFF  }
0x99: {  	s19 =	sld [smem:$0x3FDB];
	_ =	sdelay $0x1  }
0x9a: {  	s5 =	simm.s32 $_scs_section_size  }
0x9b: {  	s6 =	simm.s32 $_size__tile_overlayer_lowered;
	s7 =	simm.s32 $_tile_overlayer_lowered  }
0x9c: {  	s22 =	simm.s32 $0x1BFF;
	s21 =	sshll.u32 s7, $0x1;
	s4 =	sadd.s32 s5, s19  }
0x9d: {  	s8 =	simm.s32 $0x0;
	s20 =	sshll.u32 s6, $0x1;
	s6 =	sadd.s32 s21, s4  }
0x9e: {  	[timem:s8], [sflag:s22] =	dma.local [hbm:s6], s20  }
0x9f: {  	_ =	swait.ge [sflag:s22], s20  }
0xa0: {  	s5 =	ssub.s32 $0x0, s20;
	[sflag:s22] =	ssyncset.done $0x0  }
0xa1: {  	[sflag:s22] =	ssyncadd.s32 s5;
	_ =	sdelay $0x1  }
0xa2: {  	s23 =	simm.s32 $0x1B8B  }
0xa3: {  	_ =	swait.ge [sflag:s23], $0x1  }
0xa4: {  	[sflag:s23] =	ssyncset.done $0x0  }
0xa5: {  	s25 =	simm.s32 $0x1B8E;
	s24 =	sld [smem:$0x3FFE];
	[sflag:s23] =	ssyncadd.s32 $0xFFFFFFFF  }
0xa6: {  	s26 =	simm.s32 $execute0_lowered;
	[smem:$0x3FD2] =	sst s25  }
0xa7: {  	s6 =	sshll.u32 s26, $0x1;
	_ =	strace $0x80000046;
	[dreg:$0x1] =	wrdreg $0xFFFFFFFF  }
0xa8: {  	s28 =	simm.s32 $_size_execute0_lowered;
	s4 =	sadd.s32 s4, s6;
	[dreg:$0x0] =	wrdreg $0x0  }
0xa9: {  	s6 =	sshll.u32 s28, $0x1;
	[dreg:$0x2] =	wrdreg s4  }
0xaa: {  	[dreg:$0x3] =	wrdreg s6  }
0xab: {  	[dreg:$0x4] =	wrdreg $0xC0  }
0xac: {  	_ =	task [dreg:s8], $0x5FFFF  }
0xad: {  	[dreg:$0x1] =	wrdreg $0xFFFFFFFF  }
0xae: {  	[dreg:$0x0] =	wrdreg $0x60  }
0xaf: {  	[dreg:$0x2] =	wrdreg s2  }
0xb0: {  	[dreg:$0x3] =	wrdreg s24  }
0xb1: {  	[dreg:$0x4] =	wrdreg s18  }
0xb2: {  	[dreg:$0x5] =	wrdreg $0x9  }
0xb3: {  	_ =	task.clear_ibuf [dreg:s8], $0x6FFFF;
	_ =	strace $0x90000046  }
0xb4: {  	s29 =	simm.s32 $0x9;
	_ =	strace $0x80000048  }
0xb5: {  	_ =	swait.ge [sflag:s29], $0x1  }
0xb6: {  	[sflag:s29] =	ssyncadd.s32 $0xFFFFFFFF  }
0xb7: {  	_ =	strace $0x90000048  }
0xb8: {  	_ =	sfence  }
0xb9: {  	s30 =	sld [smem:$0x0];
	_ =	sdelay $0x2  }
0xba: {  	s31 =	sshll.u32 s1, $0xD;
	s1 =	sshrl.u32 s1, $0x2  }
0xbb: {  	s3 =	sand.u32 $0x4000, s31;
	s1 =	sadd.s32 s1, s30  }
0xbc: {  	s0 =	sor.u32 s3, s0;
	s1 =	sshll.u32 s1, $0x11  }
0xbd: {  	s0 =	sor.u32 s1, s0  }
0xbe: {  	s0 =	sadd.s32 $0x8F2B, s0  }
0xbf: {  	[sflag:s0] =	ssyncadd.remote.s32 $0x1  }
0xc0: {  	_ =	sfence.sel $0xFFFF  }
0xc1: {  	[dreg:$0x0] =	wrdreg $0xFFFFFFFF;
	(pc) =	sbr.abs _section_cstart, $3  }
0xc2: {  	[dreg:$0x1] =	wrdreg $0xFFFFFFFF  }
0xc3: {  	_ =	task.clear_ibuf [dreg:s8], $0x2FFFF;
	_ =	strace $0x9FFFFFFF  }
0xc4: {  	(tm) =	ssettm $0x7FFFFFFF  }
0xc5: {  	_ =	shalt  }
tec
execute0_lowered:
.L_overlay_start_1:
0x0: {  	(tag) =	ssettag $0x1  }
0x1: {  	s4 =	rddreg [dreg:$0x0]  }
0x2: {  	s3 =	rddreg [dreg:$0x1]  }
0x3: {  	s5 =	rddreg [dreg:$0x2];
	s2 =	simm.s32 $0x0  }
0x4: {  	s8 =	simm.s32 $0x300;
	[smem:$0x7FF] =	sst s2  }
0x5: {  	s9 =	simm.s32 $0x380;
	_ =	strace $0x80000047;
	[dreg:$0xe] =	wrdreg s8  }
0x6: {  	s10 =	simm.s32 $0x400;
	[dreg:$0xf] =	wrdreg s9  }
0x7: {  	s11 =	simm.s32 $0x480;
	[dreg:$0x10] =	wrdreg s10  }
0x8: {  	s12 =	simm.s32 $0x500;
	[dreg:$0x11] =	wrdreg s11  }
0x9: {  	s13 =	simm.s32 $0x580;
	[dreg:$0x12] =	wrdreg s12  }
0xa: {  	s14 =	simm.s32 $0x600;
	[dreg:$0x13] =	wrdreg s13  }
0xb: {  	s0 =	srdreg.scid;
	s15 =	simm.s32 $0x680;
	[dreg:$0x14] =	wrdreg s14  }
0xc: {  	s20 =	stileid.u32;
	s16 =	simm.s32 $0x700;
	[dreg:$0x15] =	wrdreg s15  }
0xd: {  	s17 =	simm.s32 $0x780;
	s18 =	simm.s32 $0x800;
	[dreg:$0x16] =	wrdreg s16  }
0xe: {  	s1 =	sand.u32 $0x1, s0;
	s19 =	sshll.u32 s20, $0x1;
	[dreg:$0x17] =	wrdreg s17  }
0xf: {  	s0 =	sor.u32 s1, s19;
	[dreg:$0x18] =	wrdreg s18;
	s19 =	simm.s32 $0x880  }
0x10: {  	s8 =	simm.s32 $0xD80;
	[dreg:$0x19] =	wrdreg s19  }
0x11: {  	s9 =	simm.s32 $0xE00;
	[smem:$0x7E8] =	sst s8  }
0x12: {  	s10 =	simm.s32 $0xE80;
	[smem:$0x7E9] =	sst s9  }
0x13: {  	s11 =	simm.s32 $0xF00;
	[smem:$0x7EA] =	sst s10  }
0x14: {  	s12 =	simm.s32 $0xF80;
	[smem:$0x7EB] =	sst s11  }
0x15: {  	s13 =	simm.s32 $0x1000;
	[smem:$0x7EC] =	sst s12  }
0x16: {  	s14 =	simm.s32 $0x1080;
	[smem:$0x7ED] =	sst s13  }
0x17: {  	s15 =	simm.s32 $0x1100;
	[smem:$0x7EE] =	sst s14  }
0x18: {  	s31 =	simm.s32 $0x5;
	s16 =	simm.s32 $0x1180;
	[smem:$0x7EF] =	sst s15  }
0x19: {  	s28 =	simm.s32 $0x12900;
	s17 =	simm.s32 $0x1200;
	[smem:$0x7F0] =	sst s16  }
0x1a: {  	s29 =	simm.s32 $0x13900;
	s18 =	simm.s32 $0x1280;
	[smem:$0x7F1] =	sst s17  }
0x1b: {  	s6 =	smul.u32 $0x320, s0;
	[smem:$0x7F2] =	sst s18;
	s19 =	simm.s32 $0x1300  }
0x1c: {  	s7 =	smul.u32 $0x32000, s0;
	s8 =	simm.s32 $0x1780;
	[smem:$0x7F3] =	sst s19  }
0x1d: {  	s0 =	smul.u32 $0x6400, s0;
	[smem:$0x7FC] =	sst s8;
	s19 =	simm.s32 $0x1800  }
0x1e: {  	p0 =	por $0x0, $0x0;
	s4 =	sadd.s32 s4, s6;
	[smem:$0x7FD] =	sst s19  }
0x1f: {  	s30 =	simm.s32 $0x14900;
	s0 =	sadd.s32 s5, s0;
	[dreg:$0x4] =	wrdreg s4  }
0x20: {  	s1 =	ssub.s32 $0x2, s1;
	s6 =	simm.s32 $0x200;
	[dreg:$0x5] =	wrdreg s0  }
0x21: {  	s21 =	sshrl.u32 s7, $0x3;
	s7 =	simm.s32 $0x280;
	[dreg:$0xc] =	wrdreg s6  }
0x22: {  	s10 =	simm.s32 $0x2900;
	s4 =	simm.s32 $0x100;
	[dreg:$0xd] =	wrdreg s7  }
0x23: {  	s22 =	sadd.s32 s5, s21;
	s5 =	simm.s32 $0x180;
	[dreg:$0xa] =	wrdreg s4  }
0x24: {  	s11 =	simm.s32 $0x3900;
	s21 =	simm.s32 $0x900;
	[dreg:$0xb] =	wrdreg s5  }
0x25: {  	s12 =	simm.s32 $0x4900;
	s7 =	simm.s32 $0xD00;
	[dreg:$0x1a] =	wrdreg s21  }
0x26: {  	s13 =	simm.s32 $0x5900;
	s14 =	simm.s32 $0x6900;
	[smem:$0x7E7] =	sst s7  }
0x27: {  	s15 =	simm.s32 $0x7900;
	s23 =	sadd.s32 $0x1400, s22;
	s0 =	rddreg [dreg:$0x4]  }
0x28: {  	s16 =	simm.s32 $0x8900;
	s24 =	sadd.s32 $0x2800, s22;
	[dreg:$0x6] =	wrdreg s23  }
0x29: {  	s17 =	simm.s32 $0x9900;
	s25 =	sadd.s32 $0x3C00, s22;
	[dreg:$0x7] =	wrdreg s24  }
0x2a: {  	s18 =	simm.s32 $0xA900;
	s26 =	sadd.s32 $0x5000, s22;
	[dreg:$0x8] =	wrdreg s25  }
0x2b: {  	s9 =	simm.s32 $0xB900;
	s22 =	simm.s32 $0x980;
	[dreg:$0x9] =	wrdreg s26  }
0x2c: {  	s4 =	sadd.s32 $0xF42800, s3;
	s3 =	simm.s32 $0xC00;
	[dreg:$0x1b] =	wrdreg s22  }
0x2d: {  	s8 =	simm.s32 $0x1;
	s5 =	simm.s32 $0xC80;
	[smem:$0x7E5] =	sst s3  }
0x2e: {  	s6 =	sshrl.u32 s1, $0x1;
	s21 =	simm.s32 $0x1380;
	[smem:$0x7E6] =	sst s5  }
0x2f: {  	s1 =	ssub.s32 s1, s6;
	s6 =	simm.s32 $0x1700;
	[smem:$0x7F4] =	sst s21  }
0x30: {  	s19 =	simm.s32 $0x2;
	s23 =	simm.s32 $0xA00;
	[smem:$0x7FB] =	sst s6  }
0x31: {  	s7 =	simm.s32 $0x80;
	s24 =	simm.s32 $0xA80;
	[dreg:$0x1c] =	wrdreg s23  }
0x32: {  	s25 =	simm.s32 $0xB00;
	s26 =	simm.s32 $0xB80;
	[dreg:$0x1d] =	wrdreg s24  }
0x33: {  	s1 =	smax.u32 s1, $0x1;
	s3 =	simm.s32 $0x1900;
	[dreg:$0x1e] =	wrdreg s25  }
0x34: {  	s22 =	simm.s32 $0x1400;
	s21 =	simm.s32 $0xC900;
	[dreg:$0x1f] =	wrdreg s26  }
0x35: {  	s5 =	simm.s32 $0x1680;
	s6 =	simm.s32 $0x3;
	[smem:$0x7F5] =	sst s22  }
0x36: {  	s23 =	simm.s32 $0x1480;
	s24 =	simm.s32 $0x1500;
	p1 =	sne.s32 s1, $0x1  }
.Ltmp0:
0x37: {  	s22 =	simm.s32 $0xD900;
	[smem:$0x7FA] =	sst s5;
	(pc) =	sbr.rel @!p1 .LBB2_5-.Ltmp0, $4  }
0x38: {  	s25 =	simm.s32 $0x1580;
	s26 =	simm.s32 $0x1600;
	[smem:$0x7F6] =	sst s23  }
0x39: {  	s1 =	sadd.s32 $0xFFFFFFFF, s1;
	s5 =	simm.s32 $0x4;
	[smem:$0x7F7] =	sst s24  }
0x3a: {  	s23 =	simm.s32 $0xE900;
	[smem:$0x7F8] =	sst s25;
	s24 =	simm.s32 $0xF900  }
0x3b: {  	[smem:$0x7F9] =	sst s26;
	s25 =	simm.s32 $0x10900;
	s26 =	simm.s32 $0x11900  }
0x3c: {  	[tilespmem:s2], [sflag:$0x5] =	stream.linear.gather [hbm4b:s0+s2], $0x1900, $0x38;
	[tilespmem:$0x15900] =	vst v63  }
0x3d: {  	_ =	swait.ge [sflag:s31], $0x1900  }
0x3e: {  	[sflag:s31] =	ssyncset.done $0x0  }
0x3f: {  	[sflag:s31] =	ssyncadd.s32 $0xFFFFE700  }
0x40: {  	[tilespmem:s3], [sflag:$0x1] =	stream.indirect.gather [hbm4b:s4+s7], $0x20, s2, s7, $0xb8;
	[tilespmem:$0x15900] =	vst v63  }
0x41: {  	_ = 	snop  }
0x42: {  	[tilespmem:s10], [sflag:$0x1] =	stream.indirect.gather [hbm4b:s4+s7], $0x20, s7, s7, $0xb8;
	[tilespmem:$0x15900] =	vst v63  }
0x43: {  	s0 =	rddreg [dreg:$0xa]  }
0x44: {  	[tilespmem:s11], [sflag:$0x1] =	stream.indirect.gather [hbm4b:s4+s7], $0x20, s0, s7, $0xb8;
	[tilespmem:$0x15900] =	vst v63  }
0x45: {  	s20 =	smov.u32 s1;
	s1 =	rddreg [dreg:$0xb]  }
0x46: {  	[tilespmem:s12], [sflag:$0x1] =	stream.indirect.gather [hbm4b:s4+s7], $0x20, s1, s7, $0xb8;
	[tilespmem:$0x15900] =	vst v63  }
0x47: {  	s0 =	rddreg [dreg:$0xc]  }
0x48: {  	[tilespmem:s13], [sflag:$0x1] =	stream.indirect.gather [hbm4b:s4+s7], $0x20, s0, s7, $0xb8;
	[tilespmem:$0x15900] =	vst v63  }
0x49: {  	s1 =	rddreg [dreg:$0xd]  }
0x4a: {  	[tilespmem:s14], [sflag:$0x1] =	stream.indirect.gather [hbm4b:s4+s7], $0x20, s1, s7, $0xb8;
	[tilespmem:$0x15900] =	vst v63  }
0x4b: {  	s0 =	rddreg [dreg:$0xe]  }
0x4c: {  	[tilespmem:s15], [sflag:$0x1] =	stream.indirect.gather [hbm4b:s4+s7], $0x20, s0, s7, $0xb8;
	[tilespmem:$0x15900] =	vst v63  }
0x4d: {  	s1 =	rddreg [dreg:$0xf]  }
0x4e: {  	[tilespmem:s16], [sflag:$0x1] =	stream.indirect.gather [hbm4b:s4+s7], $0x20, s1, s7, $0xb8;
	[tilespmem:$0x15900] =	vst v63  }
0x4f: {  	s0 =	rddreg [dreg:$0x10]  }
0x50: {  	[tilespmem:s17], [sflag:$0x1] =	stream.indirect.gather [hbm4b:s4+s7], $0x20, s0, s7, $0xb8;
	[tilespmem:$0x15900] =	vst v63  }
0x51: {  	s1 =	rddreg [dreg:$0x11]  }
0x52: {  	[tilespmem:s18], [sflag:$0x1] =	stream.indirect.gather [hbm4b:s4+s7], $0x20, s1, s7, $0xb8;
	[tilespmem:$0x15900] =	vst v63  }
0x53: {  	s0 =	rddreg [dreg:$0x12]  }
0x54: {  	[tilespmem:s9], [sflag:$0x2] =	stream.indirect.gather [hbm4b:s4+s7], $0x20, s0, s7, $0xb8;
	[tilespmem:$0x15900] =	vst v63  }
0x55: {  	s1 =	rddreg [dreg:$0x13]  }
0x56: {  	[tilespmem:s21], [sflag:$0x2] =	stream.indirect.gather [hbm4b:s4+s7], $0x20, s1, s7, $0xb8;
	[tilespmem:$0x15900] =	vst v63  }
0x57: {  	s0 =	rddreg [dreg:$0x14]  }
0x58: {  	[tilespmem:s22], [sflag:$0x2] =	stream.indirect.gather [hbm4b:s4+s7], $0x20, s0, s7, $0xb8;
	[tilespmem:$0x15900] =	vst v63  }
0x59: {  	s1 =	rddreg [dreg:$0x15]  }
0x5a: {  	[tilespmem:s23], [sflag:$0x2] =	stream.indirect.gather [hbm4b:s4+s7], $0x20, s1, s7, $0xb8;
	[tilespmem:$0x15900] =	vst v63  }
0x5b: {  	s0 =	rddreg [dreg:$0x16]  }
0x5c: {  	[tilespmem:s24], [sflag:$0x2] =	stream.indirect.gather [hbm4b:s4+s7], $0x20, s0, s7, $0xb8;
	[tilespmem:$0x15900] =	vst v63  }
0x5d: {  	s1 =	rddreg [dreg:$0x17]  }
0x5e: {  	[tilespmem:s25], [sflag:$0x2] =	stream.indirect.gather [hbm4b:s4+s7], $0x20, s1, s7, $0xb8;
	[tilespmem:$0x15900] =	vst v63  }
0x5f: {  	s0 =	rddreg [dreg:$0x18]  }
0x60: {  	[tilespmem:s26], [sflag:$0x2] =	stream.indirect.gather [hbm4b:s4+s7], $0x20, s0, s7, $0xb8;
	[tilespmem:$0x15900] =	vst v63  }
0x61: {  	s1 =	rddreg [dreg:$0x19]  }
0x62: {  	[tilespmem:s28], [sflag:$0x2] =	stream.indirect.gather [hbm4b:s4+s7], $0x20, s1, s7, $0xb8;
	[tilespmem:$0x15900] =	vst v63  }
0x63: {  	s0 =	rddreg [dreg:$0x1a]  }
0x64: {  	[tilespmem:s29], [sflag:$0x2] =	stream.indirect.gather [hbm4b:s4+s7], $0x20, s0, s7, $0xb8;
	[tilespmem:$0x15900] =	vst v63  }
0x65: {  	s1 =	rddreg [dreg:$0x1b]  }
0x66: {  	[tilespmem:s30], [sflag:$0x2] =	stream.indirect.gather [hbm4b:s4+s7], $0x20, s1, s7, $0xb8;
	[tilespmem:$0x15900] =	vst v63  }
0x67: {  	_ =	swait.ge [sflag:s8], $0x1000  }
0x68: {  	[sflag:s8] =	ssyncset.done $0x0  }
0x69: {  	[sflag:s8] =	ssyncadd.s32 $0xFFFFF000  }
0x6a: {  	_ =	swait.ge [sflag:s8], $0x1000  }
0x6b: {  	[sflag:s8] =	ssyncset.done $0x0  }
0x6c: {  	[sflag:s8] =	ssyncadd.s32 $0xFFFFF000  }
0x6d: {  	_ =	swait.ge [sflag:s8], $0x1000  }
0x6e: {  	[sflag:s8] =	ssyncset.done $0x0  }
0x6f: {  	[sflag:s8] =	ssyncadd.s32 $0xFFFFF000  }
0x70: {  	_ =	swait.ge [sflag:s8], $0x1000  }
0x71: {  	[sflag:s8] =	ssyncset.done $0x0  }
0x72: {  	[sflag:s8] =	ssyncadd.s32 $0xFFFFF000  }
0x73: {  	_ =	swait.ge [sflag:s8], $0x1000  }
0x74: {  	[sflag:s8] =	ssyncset.done $0x0  }
0x75: {  	[sflag:s8] =	ssyncadd.s32 $0xFFFFF000  }
0x76: {  	_ =	swait.ge [sflag:s8], $0x1000  }
0x77: {  	[sflag:s8] =	ssyncset.done $0x0  }
0x78: {  	[sflag:s8] =	ssyncadd.s32 $0xFFFFF000  }
0x79: {  	_ =	swait.ge [sflag:s8], $0x1000  }
0x7a: {  	[sflag:s8] =	ssyncset.done $0x0  }
0x7b: {  	[sflag:s8] =	ssyncadd.s32 $0xFFFFF000  }
0x7c: {  	_ =	swait.ge [sflag:s8], $0x1000  }
0x7d: {  	[sflag:s8] =	ssyncset.done $0x0  }
0x7e: {  	[sflag:s8] =	ssyncadd.s32 $0xFFFFF000  }
0x7f: {  	_ =	swait.ge [sflag:s8], $0x1000  }
0x80: {  	[sflag:s8] =	ssyncset.done $0x0  }
0x81: {  	[sflag:s8] =	ssyncadd.s32 $0xFFFFF000  }
0x82: {  	_ =	swait.ge [sflag:s8], $0x1000  }
0x83: {  	[sflag:s8] =	ssyncset.done $0x0  }
0x84: {  	s1 =	rddreg [dreg:$0x5];
	[sflag:s8] =	ssyncadd.s32 $0xFFFFF000  }
0x85: {  	[hbm4b:s1+s2] =	stream.linear.scatter [tilespmem:s3], [sflag:$0x3], $0xA000, $0x38;
	[tilespmem:$0x15900] =	vst v63  }
0x86: {  	_ =	swait.ge [sflag:s6], $0xA000  }
0x87: {  	s0 =	rddreg [dreg:$0x1c];
	[sflag:s6] =	ssyncset.done $0x0  }
0x88: {  	s1 =	rddreg [dreg:$0x1d];
	[sflag:s6] =	ssyncadd.s32 $0xFFFF6000  }
0x89: {  	[tilespmem:s3], [sflag:$0x1] =	stream.indirect.gather [hbm4b:s4+s7], $0x20, s0, s7, $0xb8;
	[tilespmem:$0x15900] =	vst v63  }
0x8a: {  	s0 =	rddreg [dreg:$0x1e]  }
0x8b: {  	[tilespmem:s10], [sflag:$0x1] =	stream.indirect.gather [hbm4b:s4+s7], $0x20, s1, s7, $0xb8;
	[tilespmem:$0x15900] =	vst v63  }
0x8c: {  	s1 =	rddreg [dreg:$0x1f]  }
0x8d: {  	[tilespmem:s11], [sflag:$0x1] =	stream.indirect.gather [hbm4b:s4+s7], $0x20, s0, s7, $0xb8;
	[tilespmem:$0x15900] =	vst v63  }
0x8e: {  	s0 =	sld [smem:$0x7E5]  }
0x8f: {  	[tilespmem:s12], [sflag:$0x1] =	stream.indirect.gather [hbm4b:s4+s7], $0x20, s1, s7, $0xb8;
	[tilespmem:$0x15900] =	vst v63  }
0x90: {  	s1 =	sld [smem:$0x7E6]  }
0x91: {  	[tilespmem:s13], [sflag:$0x1] =	stream.indirect.gather [hbm4b:s4+s7], $0x20, s0, s7, $0xb8;
	[tilespmem:$0x15900] =	vst v63  }
0x92: {  	s0 =	sld [smem:$0x7E7]  }
0x93: {  	[tilespmem:s14], [sflag:$0x1] =	stream.indirect.gather [hbm4b:s4+s7], $0x20, s1, s7, $0xb8;
	[tilespmem:$0x15900] =	vst v63  }
0x94: {  	s1 =	sld [smem:$0x7E8]  }
0x95: {  	[tilespmem:s15], [sflag:$0x1] =	stream.indirect.gather [hbm4b:s4+s7], $0x20, s0, s7, $0xb8;
	[tilespmem:$0x15900] =	vst v63  }
0x96: {  	s0 =	sld [smem:$0x7E9]  }
0x97: {  	[tilespmem:s16], [sflag:$0x1] =	stream.indirect.gather [hbm4b:s4+s7], $0x20, s1, s7, $0xb8;
	[tilespmem:$0x15900] =	vst v63  }
0x98: {  	s1 =	sld [smem:$0x7EA]  }
0x99: {  	[tilespmem:s17], [sflag:$0x1] =	stream.indirect.gather [hbm4b:s4+s7], $0x20, s0, s7, $0xb8;
	[tilespmem:$0x15900] =	vst v63  }
0x9a: {  	_ = 	snop  }
0x9b: {  	[tilespmem:s18], [sflag:$0x1] =	stream.indirect.gather [hbm4b:s4+s7], $0x20, s1, s7, $0xb8;
	[tilespmem:$0x15900] =	vst v63  }
0x9c: {  	_ =	swait.ge [sflag:s19], $0x1000  }
0x9d: {  	[sflag:s19] =	ssyncset.done $0x0  }
0x9e: {  	[sflag:s19] =	ssyncadd.s32 $0xFFFFF000  }
0x9f: {  	_ =	swait.ge [sflag:s19], $0x1000  }
0xa0: {  	[sflag:s19] =	ssyncset.done $0x0  }
0xa1: {  	[sflag:s19] =	ssyncadd.s32 $0xFFFFF000  }
0xa2: {  	_ =	swait.ge [sflag:s19], $0x1000  }
0xa3: {  	[sflag:s19] =	ssyncset.done $0x0  }
0xa4: {  	[sflag:s19] =	ssyncadd.s32 $0xFFFFF000  }
0xa5: {  	_ =	swait.ge [sflag:s19], $0x1000  }
0xa6: {  	[sflag:s19] =	ssyncset.done $0x0  }
0xa7: {  	[sflag:s19] =	ssyncadd.s32 $0xFFFFF000  }
0xa8: {  	_ =	swait.ge [sflag:s19], $0x1000  }
0xa9: {  	[sflag:s19] =	ssyncset.done $0x0  }
0xaa: {  	[sflag:s19] =	ssyncadd.s32 $0xFFFFF000  }
0xab: {  	_ =	swait.ge [sflag:s19], $0x1000  }
0xac: {  	[sflag:s19] =	ssyncset.done $0x0  }
0xad: {  	[sflag:s19] =	ssyncadd.s32 $0xFFFFF000  }
0xae: {  	_ =	swait.ge [sflag:s19], $0x1000  }
0xaf: {  	[sflag:s19] =	ssyncset.done $0x0  }
0xb0: {  	[sflag:s19] =	ssyncadd.s32 $0xFFFFF000  }
0xb1: {  	_ =	swait.ge [sflag:s19], $0x1000  }
0xb2: {  	[sflag:s19] =	ssyncset.done $0x0  }
0xb3: {  	[sflag:s19] =	ssyncadd.s32 $0xFFFFF000  }
0xb4: {  	_ =	swait.ge [sflag:s19], $0x1000  }
0xb5: {  	[sflag:s19] =	ssyncset.done $0x0  }
0xb6: {  	[sflag:s19] =	ssyncadd.s32 $0xFFFFF000  }
0xb7: {  	_ =	swait.ge [sflag:s19], $0x1000  }
0xb8: {  	[sflag:s19] =	ssyncset.done $0x0  }
0xb9: {  	s1 =	rddreg [dreg:$0x6];
	[sflag:s19] =	ssyncadd.s32 $0xFFFFF000  }
0xba: {  	[hbm4b:s1+s2] =	stream.linear.scatter [tilespmem:s9], [sflag:$0x4], $0xA000, $0x38;
	[tilespmem:$0x15900] =	vst v63  }
0xbb: {  	_ =	swait.ge [sflag:s5], $0xA000  }
0xbc: {  	s0 =	sld [smem:$0x7EB]  }
0xbd: {  	[sflag:s5] =	ssyncset.done $0x0  }
0xbe: {  	s1 =	sld [smem:$0x7EC];
	[sflag:s5] =	ssyncadd.s32 $0xFFFF6000  }
0xbf: {  	[tilespmem:s9], [sflag:$0x2] =	stream.indirect.gather [hbm4b:s4+s7], $0x20, s0, s7, $0xb8;
	[tilespmem:$0x15900] =	vst v63  }
0xc0: {  	s0 =	sld [smem:$0x7ED]  }
0xc1: {  	[tilespmem:s21], [sflag:$0x2] =	stream.indirect.gather [hbm4b:s4+s7], $0x20, s1, s7, $0xb8;
	[tilespmem:$0x15900] =	vst v63  }
0xc2: {  	s1 =	sld [smem:$0x7EE]  }
0xc3: {  	[tilespmem:s22], [sflag:$0x2] =	stream.indirect.gather [hbm4b:s4+s7], $0x20, s0, s7, $0xb8;
	[tilespmem:$0x15900] =	vst v63  }
0xc4: {  	s0 =	sld [smem:$0x7EF]  }
0xc5: {  	[tilespmem:s23], [sflag:$0x2] =	stream.indirect.gather [hbm4b:s4+s7], $0x20, s1, s7, $0xb8;
	[tilespmem:$0x15900] =	vst v63  }
0xc6: {  	s1 =	sld [smem:$0x7F0]  }
0xc7: {  	[tilespmem:s24], [sflag:$0x2] =	stream.indirect.gather [hbm4b:s4+s7], $0x20, s0, s7, $0xb8;
	[tilespmem:$0x15900] =	vst v63  }
0xc8: {  	s0 =	sld [smem:$0x7F1]  }
0xc9: {  	[tilespmem:s25], [sflag:$0x2] =	stream.indirect.gather [hbm4b:s4+s7], $0x20, s1, s7, $0xb8;
	[tilespmem:$0x15900] =	vst v63  }
0xca: {  	s1 =	sld [smem:$0x7F2]  }
0xcb: {  	[tilespmem:s26], [sflag:$0x2] =	stream.indirect.gather [hbm4b:s4+s7], $0x20, s0, s7, $0xb8;
	[tilespmem:$0x15900] =	vst v63  }
0xcc: {  	s0 =	sld [smem:$0x7F3]  }
0xcd: {  	[tilespmem:s28], [sflag:$0x2] =	stream.indirect.gather [hbm4b:s4+s7], $0x20, s1, s7, $0xb8;
	[tilespmem:$0x15900] =	vst v63  }
0xce: {  	s1 =	sld [smem:$0x7F4]  }
0xcf: {  	[tilespmem:s29], [sflag:$0x2] =	stream.indirect.gather [hbm4b:s4+s7], $0x20, s0, s7, $0xb8;
	[tilespmem:$0x15900] =	vst v63  }
0xd0: {  	_ = 	snop  }
0xd1: {  	[tilespmem:s30], [sflag:$0x2] =	stream.indirect.gather [hbm4b:s4+s7], $0x20, s1, s7, $0xb8;
	[tilespmem:$0x15900] =	vst v63  }
0xd2: {  	_ =	swait.ge [sflag:s8], $0x1000  }
0xd3: {  	[sflag:s8] =	ssyncset.done $0x0  }
0xd4: {  	[sflag:s8] =	ssyncadd.s32 $0xFFFFF000  }
0xd5: {  	_ =	swait.ge [sflag:s8], $0x1000  }
0xd6: {  	[sflag:s8] =	ssyncset.done $0x0  }
0xd7: {  	[sflag:s8] =	ssyncadd.s32 $0xFFFFF000  }
0xd8: {  	_ =	swait.ge [sflag:s8], $0x1000  }
0xd9: {  	[sflag:s8] =	ssyncset.done $0x0  }
0xda: {  	[sflag:s8] =	ssyncadd.s32 $0xFFFFF000  }
0xdb: {  	_ =	swait.ge [sflag:s8], $0x1000  }
0xdc: {  	[sflag:s8] =	ssyncset.done $0x0  }
0xdd: {  	[sflag:s8] =	ssyncadd.s32 $0xFFFFF000  }
0xde: {  	_ =	swait.ge [sflag:s8], $0x1000  }
0xdf: {  	[sflag:s8] =	ssyncset.done $0x0  }
0xe0: {  	[sflag:s8] =	ssyncadd.s32 $0xFFFFF000  }
0xe1: {  	_ =	swait.ge [sflag:s8], $0x1000  }
0xe2: {  	[sflag:s8] =	ssyncset.done $0x0  }
0xe3: {  	[sflag:s8] =	ssyncadd.s32 $0xFFFFF000  }
0xe4: {  	_ =	swait.ge [sflag:s8], $0x1000  }
0xe5: {  	[sflag:s8] =	ssyncset.done $0x0  }
0xe6: {  	[sflag:s8] =	ssyncadd.s32 $0xFFFFF000  }
0xe7: {  	_ =	swait.ge [sflag:s8], $0x1000  }
0xe8: {  	[sflag:s8] =	ssyncset.done $0x0  }
0xe9: {  	[sflag:s8] =	ssyncadd.s32 $0xFFFFF000  }
0xea: {  	_ =	swait.ge [sflag:s8], $0x1000  }
0xeb: {  	[sflag:s8] =	ssyncset.done $0x0  }
0xec: {  	[sflag:s8] =	ssyncadd.s32 $0xFFFFF000  }
0xed: {  	_ =	swait.ge [sflag:s8], $0x1000  }
0xee: {  	[sflag:s8] =	ssyncset.done $0x0  }
0xef: {  	s1 =	rddreg [dreg:$0x7];
	[sflag:s8] =	ssyncadd.s32 $0xFFFFF000  }
0xf0: {  	[hbm4b:s1+s2] =	stream.linear.scatter [tilespmem:s3], [sflag:$0x3], $0xA000, $0x38;
	[tilespmem:$0x15900] =	vst v63  }
0xf1: {  	_ =	swait.ge [sflag:s6], $0xA000  }
0xf2: {  	s0 =	sld [smem:$0x7F5]  }
0xf3: {  	[sflag:s6] =	ssyncset.done $0x0  }
0xf4: {  	s1 =	sld [smem:$0x7F6];
	[sflag:s6] =	ssyncadd.s32 $0xFFFF6000  }
0xf5: {  	[tilespmem:s3], [sflag:$0x1] =	stream.indirect.gather [hbm4b:s4+s7], $0x20, s0, s7, $0xb8;
	[tilespmem:$0x15900] =	vst v63  }
0xf6: {  	s0 =	sld [smem:$0x7F7]  }
0xf7: {  	[tilespmem:s10], [sflag:$0x1] =	stream.indirect.gather [hbm4b:s4+s7], $0x20, s1, s7, $0xb8;
	[tilespmem:$0x15900] =	vst v63  }
0xf8: {  	s1 =	sld [smem:$0x7F8]  }
0xf9: {  	[tilespmem:s11], [sflag:$0x1] =	stream.indirect.gather [hbm4b:s4+s7], $0x20, s0, s7, $0xb8;
	[tilespmem:$0x15900] =	vst v63  }
0xfa: {  	s0 =	sld [smem:$0x7F9]  }
0xfb: {  	[tilespmem:s12], [sflag:$0x1] =	stream.indirect.gather [hbm4b:s4+s7], $0x20, s1, s7, $0xb8;
	[tilespmem:$0x15900] =	vst v63  }
0xfc: {  	s1 =	sld [smem:$0x7FA]  }
0xfd: {  	[tilespmem:s13], [sflag:$0x1] =	stream.indirect.gather [hbm4b:s4+s7], $0x20, s0, s7, $0xb8;
	[tilespmem:$0x15900] =	vst v63  }
0xfe: {  	s0 =	sld [smem:$0x7FB]  }
0xff: {  	[tilespmem:s14], [sflag:$0x1] =	stream.indirect.gather [hbm4b:s4+s7], $0x20, s1, s7, $0xb8;
	[tilespmem:$0x15900] =	vst v63  }
0x100: {  	s1 =	sld [smem:$0x7FC]  }
0x101: {  	[tilespmem:s15], [sflag:$0x1] =	stream.indirect.gather [hbm4b:s4+s7], $0x20, s0, s7, $0xb8;
	[tilespmem:$0x15900] =	vst v63  }
0x102: {  	s0 =	sld [smem:$0x7FD]  }
0x103: {  	[tilespmem:s16], [sflag:$0x1] =	stream.indirect.gather [hbm4b:s4+s7], $0x20, s1, s7, $0xb8;
	[tilespmem:$0x15900] =	vst v63  }
0x104: {  	_ = 	snop  }
0x105: {  	[tilespmem:s17], [sflag:$0x1] =	stream.indirect.gather [hbm4b:s4+s7], $0x20, s0, s7, $0xb8;
	[tilespmem:$0x15900] =	vst v63  }
0x106: {  	s1 =	simm.s32 $0x1880  }
0x107: {  	[tilespmem:s18], [sflag:$0x1] =	stream.indirect.gather [hbm4b:s4+s7], $0x20, s1, s7, $0xb8;
	[tilespmem:$0x15900] =	vst v63  }
0x108: {  	_ =	swait.ge [sflag:s19], $0x1000  }
0x109: {  	[sflag:s19] =	ssyncset.done $0x0  }
0x10a: {  	[sflag:s19] =	ssyncadd.s32 $0xFFFFF000  }
0x10b: {  	_ =	swait.ge [sflag:s19], $0x1000  }
0x10c: {  	[sflag:s19] =	ssyncset.done $0x0  }
0x10d: {  	[sflag:s19] =	ssyncadd.s32 $0xFFFFF000  }
0x10e: {  	_ =	swait.ge [sflag:s19], $0x1000  }
0x10f: {  	[sflag:s19] =	ssyncset.done $0x0  }
0x110: {  	[sflag:s19] =	ssyncadd.s32 $0xFFFFF000  }
0x111: {  	_ =	swait.ge [sflag:s19], $0x1000  }
0x112: {  	[sflag:s19] =	ssyncset.done $0x0  }
0x113: {  	[sflag:s19] =	ssyncadd.s32 $0xFFFFF000  }
0x114: {  	_ =	swait.ge [sflag:s19], $0x1000  }
0x115: {  	[sflag:s19] =	ssyncset.done $0x0  }
0x116: {  	[sflag:s19] =	ssyncadd.s32 $0xFFFFF000  }
0x117: {  	_ =	swait.ge [sflag:s19], $0x1000  }
0x118: {  	[sflag:s19] =	ssyncset.done $0x0  }
0x119: {  	[sflag:s19] =	ssyncadd.s32 $0xFFFFF000  }
0x11a: {  	_ =	swait.ge [sflag:s19], $0x1000  }
0x11b: {  	[sflag:s19] =	ssyncset.done $0x0  }
0x11c: {  	[sflag:s19] =	ssyncadd.s32 $0xFFFFF000  }
0x11d: {  	_ =	swait.ge [sflag:s19], $0x1000  }
0x11e: {  	[sflag:s19] =	ssyncset.done $0x0  }
0x11f: {  	[sflag:s19] =	ssyncadd.s32 $0xFFFFF000  }
0x120: {  	_ =	swait.ge [sflag:s19], $0x1000  }
0x121: {  	[sflag:s19] =	ssyncset.done $0x0  }
0x122: {  	[sflag:s19] =	ssyncadd.s32 $0xFFFFF000  }
0x123: {  	_ =	swait.ge [sflag:s19], $0x1000  }
0x124: {  	[sflag:s19] =	ssyncset.done $0x0  }
0x125: {  	s1 =	rddreg [dreg:$0x8];
	[sflag:s19] =	ssyncadd.s32 $0xFFFFF000  }
0x126: {  	[hbm4b:s1+s2] =	stream.linear.scatter [tilespmem:s9], [sflag:$0x4], $0xA000, $0x38;
	[tilespmem:$0x15900] =	vst v63  }
0x127: {  	_ =	swait.ge [sflag:s8], $0x1000  }
0x128: {  	[sflag:s8] =	ssyncset.done $0x0  }
0x129: {  	[sflag:s8] =	ssyncadd.s32 $0xFFFFF000  }
0x12a: {  	_ =	swait.ge [sflag:s8], $0x1000  }
0x12b: {  	[sflag:s8] =	ssyncset.done $0x0  }
0x12c: {  	[sflag:s8] =	ssyncadd.s32 $0xFFFFF000  }
0x12d: {  	_ =	swait.ge [sflag:s8], $0x1000  }
0x12e: {  	[sflag:s8] =	ssyncset.done $0x0  }
0x12f: {  	[sflag:s8] =	ssyncadd.s32 $0xFFFFF000  }
0x130: {  	_ =	swait.ge [sflag:s8], $0x1000  }
0x131: {  	[sflag:s8] =	ssyncset.done $0x0  }
0x132: {  	[sflag:s8] =	ssyncadd.s32 $0xFFFFF000  }
0x133: {  	_ =	swait.ge [sflag:s8], $0x1000  }
0x134: {  	[sflag:s8] =	ssyncset.done $0x0  }
0x135: {  	[sflag:s8] =	ssyncadd.s32 $0xFFFFF000  }
0x136: {  	_ =	swait.ge [sflag:s8], $0x1000  }
0x137: {  	[sflag:s8] =	ssyncset.done $0x0  }
0x138: {  	[sflag:s8] =	ssyncadd.s32 $0xFFFFF000  }
0x139: {  	_ =	swait.ge [sflag:s8], $0x1000  }
0x13a: {  	[sflag:s8] =	ssyncset.done $0x0  }
0x13b: {  	[sflag:s8] =	ssyncadd.s32 $0xFFFFF000  }
0x13c: {  	_ =	swait.ge [sflag:s8], $0x1000  }
0x13d: {  	[sflag:s8] =	ssyncset.done $0x0  }
0x13e: {  	[sflag:s8] =	ssyncadd.s32 $0xFFFFF000  }
0x13f: {  	_ =	swait.ge [sflag:s8], $0x1000  }
0x140: {  	[sflag:s8] =	ssyncset.done $0x0  }
0x141: {  	[sflag:s8] =	ssyncadd.s32 $0xFFFFF000  }
0x142: {  	_ =	swait.ge [sflag:s8], $0x1000  }
0x143: {  	[sflag:s8] =	ssyncset.done $0x0  }
0x144: {  	p1 =	sne.s32 s20, $0x1;
	s1 =	rddreg [dreg:$0x9];
	[sflag:s8] =	ssyncadd.s32 $0xFFFFF000  }
0x145: {  	[hbm4b:s1+s2] =	stream.linear.scatter [tilespmem:s3], [sflag:$0x3], $0xA000, $0x38;
	[tilespmem:$0x15900] =	vst v63  }
.Ltmp1:
0x146: {  	_ =	swait.ge [sflag:s6], $0xA000;
	(pc) =	sbr.rel @!p1 .LBB2_2-.Ltmp1, $4  }
0x147: {  	[sflag:s6] =	ssyncset.done $0x0  }
0x148: {  	[sflag:s6] =	ssyncadd.s32 $0xFFFF6000  }
0x149: {  	p0 =	por $0x1, $0x1;
	_ =	swait.ge [sflag:s5], $0xA000  }
0x14a: {  	s1 =	sadd.s32 $0xFFFFFFFF, s20;
	s0 =	rddreg [dreg:$0x4];
	[sflag:s5] =	ssyncset.done $0x0  }
.LBB2_3:
0x14b: {  	[sflag:s5] =	ssyncadd.s32 $0xFFFF6000  }
0x14c: {  	[tilespmem:s2], [sflag:$0x5] =	stream.linear.gather [hbm4b:s0+s2], $0x1900, $0x38;
	[tilespmem:$0x15900] =	vst v63  }
0x14d: {  	_ =	swait.ge [sflag:s31], $0x1900  }
0x14e: {  	[sflag:s31] =	ssyncset.done $0x0  }
0x14f: {  	[sflag:s31] =	ssyncadd.s32 $0xFFFFE700  }
0x150: {  	[tilespmem:s3], [sflag:$0x1] =	stream.indirect.gather [hbm4b:s4+s7], $0x20, s2, s7, $0xb8;
	[tilespmem:$0x15900] =	vst v63  }
0x151: {  	_ = 	snop  }
0x152: {  	[tilespmem:s10], [sflag:$0x1] =	stream.indirect.gather [hbm4b:s4+s7], $0x20, s7, s7, $0xb8;
	[tilespmem:$0x15900] =	vst v63  }
0x153: {  	s0 =	rddreg [dreg:$0xa]  }
0x154: {  	[tilespmem:s11], [sflag:$0x1] =	stream.indirect.gather [hbm4b:s4+s7], $0x20, s0, s7, $0xb8;
	[tilespmem:$0x15900] =	vst v63  }
0x155: {  	s20 =	rddreg [dreg:$0xb]  }
0x156: {  	[tilespmem:s12], [sflag:$0x1] =	stream.indirect.gather [hbm4b:s4+s7], $0x20, s20, s7, $0xb8;
	[tilespmem:$0x15900] =	vst v63  }
0x157: {  	s0 =	rddreg [dreg:$0xc]  }
0x158: {  	[tilespmem:s13], [sflag:$0x1] =	stream.indirect.gather [hbm4b:s4+s7], $0x20, s0, s7, $0xb8;
	[tilespmem:$0x15900] =	vst v63  }
0x159: {  	s20 =	rddreg [dreg:$0xd]  }
0x15a: {  	[tilespmem:s14], [sflag:$0x1] =	stream.indirect.gather [hbm4b:s4+s7], $0x20, s20, s7, $0xb8;
	[tilespmem:$0x15900] =	vst v63  }
0x15b: {  	s0 =	rddreg [dreg:$0xe]  }
0x15c: {  	[tilespmem:s15], [sflag:$0x1] =	stream.indirect.gather [hbm4b:s4+s7], $0x20, s0, s7, $0xb8;
	[tilespmem:$0x15900] =	vst v63  }
0x15d: {  	s20 =	rddreg [dreg:$0xf]  }
0x15e: {  	[tilespmem:s16], [sflag:$0x1] =	stream.indirect.gather [hbm4b:s4+s7], $0x20, s20, s7, $0xb8;
	[tilespmem:$0x15900] =	vst v63  }
0x15f: {  	s0 =	rddreg [dreg:$0x10]  }
0x160: {  	[tilespmem:s17], [sflag:$0x1] =	stream.indirect.gather [hbm4b:s4+s7], $0x20, s0, s7, $0xb8;
	[tilespmem:$0x15900] =	vst v63  }
0x161: {  	s20 =	rddreg [dreg:$0x11]  }
0x162: {  	[tilespmem:s18], [sflag:$0x1] =	stream.indirect.gather [hbm4b:s4+s7], $0x20, s20, s7, $0xb8;
	[tilespmem:$0x15900] =	vst v63  }
0x163: {  	s0 =	rddreg [dreg:$0x12]  }
0x164: {  	[tilespmem:s9], [sflag:$0x2] =	stream.indirect.gather [hbm4b:s4+s7], $0x20, s0, s7, $0xb8;
	[tilespmem:$0x15900] =	vst v63  }
0x165: {  	s20 =	rddreg [dreg:$0x13]  }
0x166: {  	[tilespmem:s21], [sflag:$0x2] =	stream.indirect.gather [hbm4b:s4+s7], $0x20, s20, s7, $0xb8;
	[tilespmem:$0x15900] =	vst v63  }
0x167: {  	s0 =	rddreg [dreg:$0x14]  }
0x168: {  	[tilespmem:s22], [sflag:$0x2] =	stream.indirect.gather [hbm4b:s4+s7], $0x20, s0, s7, $0xb8;
	[tilespmem:$0x15900] =	vst v63  }
0x169: {  	s20 =	rddreg [dreg:$0x15]  }
0x16a: {  	[tilespmem:s23], [sflag:$0x2] =	stream.indirect.gather [hbm4b:s4+s7], $0x20, s20, s7, $0xb8;
	[tilespmem:$0x15900] =	vst v63  }
0x16b: {  	s0 =	rddreg [dreg:$0x16]  }
0x16c: {  	[tilespmem:s24], [sflag:$0x2] =	stream.indirect.gather [hbm4b:s4+s7], $0x20, s0, s7, $0xb8;
	[tilespmem:$0x15900] =	vst v63  }
0x16d: {  	s20 =	rddreg [dreg:$0x17]  }
0x16e: {  	[tilespmem:s25], [sflag:$0x2] =	stream.indirect.gather [hbm4b:s4+s7], $0x20, s20, s7, $0xb8;
	[tilespmem:$0x15900] =	vst v63  }
0x16f: {  	s0 =	rddreg [dreg:$0x18]  }
0x170: {  	[tilespmem:s26], [sflag:$0x2] =	stream.indirect.gather [hbm4b:s4+s7], $0x20, s0, s7, $0xb8;
	[tilespmem:$0x15900] =	vst v63  }
0x171: {  	s20 =	rddreg [dreg:$0x19]  }
0x172: {  	[tilespmem:s28], [sflag:$0x2] =	stream.indirect.gather [hbm4b:s4+s7], $0x20, s20, s7, $0xb8;
	[tilespmem:$0x15900] =	vst v63  }
0x173: {  	s0 =	rddreg [dreg:$0x1a]  }
0x174: {  	[tilespmem:s29], [sflag:$0x2] =	stream.indirect.gather [hbm4b:s4+s7], $0x20, s0, s7, $0xb8;
	[tilespmem:$0x15900] =	vst v63  }
0x175: {  	s20 =	rddreg [dreg:$0x1b]  }
0x176: {  	[tilespmem:s30], [sflag:$0x2] =	stream.indirect.gather [hbm4b:s4+s7], $0x20, s20, s7, $0xb8;
	[tilespmem:$0x15900] =	vst v63  }
0x177: {  	_ =	swait.ge [sflag:s8], $0x1000  }
0x178: {  	[sflag:s8] =	ssyncset.done $0x0  }
0x179: {  	[sflag:s8] =	ssyncadd.s32 $0xFFFFF000  }
0x17a: {  	_ =	swait.ge [sflag:s8], $0x1000  }
0x17b: {  	[sflag:s8] =	ssyncset.done $0x0  }
0x17c: {  	[sflag:s8] =	ssyncadd.s32 $0xFFFFF000  }
0x17d: {  	_ =	swait.ge [sflag:s8], $0x1000  }
0x17e: {  	[sflag:s8] =	ssyncset.done $0x0  }
0x17f: {  	[sflag:s8] =	ssyncadd.s32 $0xFFFFF000  }
0x180: {  	_ =	swait.ge [sflag:s8], $0x1000  }
0x181: {  	[sflag:s8] =	ssyncset.done $0x0  }
0x182: {  	[sflag:s8] =	ssyncadd.s32 $0xFFFFF000  }
0x183: {  	_ =	swait.ge [sflag:s8], $0x1000  }
0x184: {  	[sflag:s8] =	ssyncset.done $0x0  }
0x185: {  	[sflag:s8] =	ssyncadd.s32 $0xFFFFF000  }
0x186: {  	_ =	swait.ge [sflag:s8], $0x1000  }
0x187: {  	[sflag:s8] =	ssyncset.done $0x0  }
0x188: {  	[sflag:s8] =	ssyncadd.s32 $0xFFFFF000  }
0x189: {  	_ =	swait.ge [sflag:s8], $0x1000  }
0x18a: {  	[sflag:s8] =	ssyncset.done $0x0  }
0x18b: {  	[sflag:s8] =	ssyncadd.s32 $0xFFFFF000  }
0x18c: {  	_ =	swait.ge [sflag:s8], $0x1000  }
0x18d: {  	[sflag:s8] =	ssyncset.done $0x0  }
0x18e: {  	[sflag:s8] =	ssyncadd.s32 $0xFFFFF000  }
0x18f: {  	_ =	swait.ge [sflag:s8], $0x1000  }
0x190: {  	[sflag:s8] =	ssyncset.done $0x0  }
0x191: {  	[sflag:s8] =	ssyncadd.s32 $0xFFFFF000  }
0x192: {  	_ =	swait.ge [sflag:s8], $0x1000  }
0x193: {  	[sflag:s8] =	ssyncset.done $0x0  }
0x194: {  	s20 =	rddreg [dreg:$0x5];
	[sflag:s8] =	ssyncadd.s32 $0xFFFFF000  }
0x195: {  	[hbm4b:s20+s2] =	stream.linear.scatter [tilespmem:s3], [sflag:$0x3], $0xA000, $0x38;
	[tilespmem:$0x15900] =	vst v63  }
0x196: {  	_ =	swait.ge [sflag:s6], $0xA000  }
0x197: {  	s0 =	rddreg [dreg:$0x1c];
	[sflag:s6] =	ssyncset.done $0x0  }
0x198: {  	s20 =	rddreg [dreg:$0x1d];
	[sflag:s6] =	ssyncadd.s32 $0xFFFF6000  }
0x199: {  	[tilespmem:s3], [sflag:$0x1] =	stream.indirect.gather [hbm4b:s4+s7], $0x20, s0, s7, $0xb8;
	[tilespmem:$0x15900] =	vst v63  }
0x19a: {  	s0 =	rddreg [dreg:$0x1e]  }
0x19b: {  	[tilespmem:s10], [sflag:$0x1] =	stream.indirect.gather [hbm4b:s4+s7], $0x20, s20, s7, $0xb8;
	[tilespmem:$0x15900] =	vst v63  }
0x19c: {  	s20 =	rddreg [dreg:$0x1f]  }
0x19d: {  	[tilespmem:s11], [sflag:$0x1] =	stream.indirect.gather [hbm4b:s4+s7], $0x20, s0, s7, $0xb8;
	[tilespmem:$0x15900] =	vst v63  }
0x19e: {  	s0 =	sld [smem:$0x7E5]  }
0x19f: {  	[tilespmem:s12], [sflag:$0x1] =	stream.indirect.gather [hbm4b:s4+s7], $0x20, s20, s7, $0xb8;
	[tilespmem:$0x15900] =	vst v63  }
0x1a0: {  	s20 =	sld [smem:$0x7E6]  }
0x1a1: {  	[tilespmem:s13], [sflag:$0x1] =	stream.indirect.gather [hbm4b:s4+s7], $0x20, s0, s7, $0xb8;
	[tilespmem:$0x15900] =	vst v63  }
0x1a2: {  	s0 =	sld [smem:$0x7E7]  }
0x1a3: {  	[tilespmem:s14], [sflag:$0x1] =	stream.indirect.gather [hbm4b:s4+s7], $0x20, s20, s7, $0xb8;
	[tilespmem:$0x15900] =	vst v63  }
0x1a4: {  	s20 =	sld [smem:$0x7E8]  }
0x1a5: {  	[tilespmem:s15], [sflag:$0x1] =	stream.indirect.gather [hbm4b:s4+s7], $0x20, s0, s7, $0xb8;
	[tilespmem:$0x15900] =	vst v63  }
0x1a6: {  	s0 =	sld [smem:$0x7E9]  }
0x1a7: {  	[tilespmem:s16], [sflag:$0x1] =	stream.indirect.gather [hbm4b:s4+s7], $0x20, s20, s7, $0xb8;
	[tilespmem:$0x15900] =	vst v63  }
0x1a8: {  	s20 =	sld [smem:$0x7EA]  }
0x1a9: {  	[tilespmem:s17], [sflag:$0x1] =	stream.indirect.gather [hbm4b:s4+s7], $0x20, s0, s7, $0xb8;
	[tilespmem:$0x15900] =	vst v63  }
0x1aa: {  	_ = 	snop  }
0x1ab: {  	[tilespmem:s18], [sflag:$0x1] =	stream.indirect.gather [hbm4b:s4+s7], $0x20, s20, s7, $0xb8;
	[tilespmem:$0x15900] =	vst v63  }
0x1ac: {  	_ =	swait.ge [sflag:s19], $0x1000  }
0x1ad: {  	[sflag:s19] =	ssyncset.done $0x0  }
0x1ae: {  	[sflag:s19] =	ssyncadd.s32 $0xFFFFF000  }
0x1af: {  	_ =	swait.ge [sflag:s19], $0x1000  }
0x1b0: {  	[sflag:s19] =	ssyncset.done $0x0  }
0x1b1: {  	[sflag:s19] =	ssyncadd.s32 $0xFFFFF000  }
0x1b2: {  	_ =	swait.ge [sflag:s19], $0x1000  }
0x1b3: {  	[sflag:s19] =	ssyncset.done $0x0  }
0x1b4: {  	[sflag:s19] =	ssyncadd.s32 $0xFFFFF000  }
0x1b5: {  	_ =	swait.ge [sflag:s19], $0x1000  }
0x1b6: {  	[sflag:s19] =	ssyncset.done $0x0  }
0x1b7: {  	[sflag:s19] =	ssyncadd.s32 $0xFFFFF000  }
0x1b8: {  	_ =	swait.ge [sflag:s19], $0x1000  }
0x1b9: {  	[sflag:s19] =	ssyncset.done $0x0  }
0x1ba: {  	[sflag:s19] =	ssyncadd.s32 $0xFFFFF000  }
0x1bb: {  	_ =	swait.ge [sflag:s19], $0x1000  }
0x1bc: {  	[sflag:s19] =	ssyncset.done $0x0  }
0x1bd: {  	[sflag:s19] =	ssyncadd.s32 $0xFFFFF000  }
0x1be: {  	_ =	swait.ge [sflag:s19], $0x1000  }
0x1bf: {  	[sflag:s19] =	ssyncset.done $0x0  }
0x1c0: {  	[sflag:s19] =	ssyncadd.s32 $0xFFFFF000  }
0x1c1: {  	_ =	swait.ge [sflag:s19], $0x1000  }
0x1c2: {  	[sflag:s19] =	ssyncset.done $0x0  }
0x1c3: {  	[sflag:s19] =	ssyncadd.s32 $0xFFFFF000  }
0x1c4: {  	_ =	swait.ge [sflag:s19], $0x1000  }
0x1c5: {  	[sflag:s19] =	ssyncset.done $0x0  }
0x1c6: {  	[sflag:s19] =	ssyncadd.s32 $0xFFFFF000  }
0x1c7: {  	_ =	swait.ge [sflag:s19], $0x1000  }
0x1c8: {  	[sflag:s19] =	ssyncset.done $0x0  }
0x1c9: {  	s20 =	rddreg [dreg:$0x6];
	[sflag:s19] =	ssyncadd.s32 $0xFFFFF000  }
0x1ca: {  	[hbm4b:s20+s2] =	stream.linear.scatter [tilespmem:s9], [sflag:$0x4], $0xA000, $0x38;
	[tilespmem:$0x15900] =	vst v63  }
0x1cb: {  	_ =	swait.ge [sflag:s5], $0xA000  }
0x1cc: {  	s0 =	sld [smem:$0x7EB]  }
0x1cd: {  	[sflag:s5] =	ssyncset.done $0x0  }
0x1ce: {  	s20 =	sld [smem:$0x7EC];
	[sflag:s5] =	ssyncadd.s32 $0xFFFF6000  }
0x1cf: {  	[tilespmem:s9], [sflag:$0x2] =	stream.indirect.gather [hbm4b:s4+s7], $0x20, s0, s7, $0xb8;
	[tilespmem:$0x15900] =	vst v63  }
0x1d0: {  	s0 =	sld [smem:$0x7ED]  }
0x1d1: {  	[tilespmem:s21], [sflag:$0x2] =	stream.indirect.gather [hbm4b:s4+s7], $0x20, s20, s7, $0xb8;
	[tilespmem:$0x15900] =	vst v63  }
0x1d2: {  	s20 =	sld [smem:$0x7EE]  }
0x1d3: {  	[tilespmem:s22], [sflag:$0x2] =	stream.indirect.gather [hbm4b:s4+s7], $0x20, s0, s7, $0xb8;
	[tilespmem:$0x15900] =	vst v63  }
0x1d4: {  	s0 =	sld [smem:$0x7EF]  }
0x1d5: {  	[tilespmem:s23], [sflag:$0x2] =	stream.indirect.gather [hbm4b:s4+s7], $0x20, s20, s7, $0xb8;
	[tilespmem:$0x15900] =	vst v63  }
0x1d6: {  	s20 =	sld [smem:$0x7F0]  }
0x1d7: {  	[tilespmem:s24], [sflag:$0x2] =	stream.indirect.gather [hbm4b:s4+s7], $0x20, s0, s7, $0xb8;
	[tilespmem:$0x15900] =	vst v63  }
0x1d8: {  	s0 =	sld [smem:$0x7F1]  }
0x1d9: {  	[tilespmem:s25], [sflag:$0x2] =	stream.indirect.gather [hbm4b:s4+s7], $0x20, s20, s7, $0xb8;
	[tilespmem:$0x15900] =	vst v63  }
0x1da: {  	s20 =	sld [smem:$0x7F2]  }
0x1db: {  	[tilespmem:s26], [sflag:$0x2] =	stream.indirect.gather [hbm4b:s4+s7], $0x20, s0, s7, $0xb8;
	[tilespmem:$0x15900] =	vst v63  }
0x1dc: {  	s0 =	sld [smem:$0x7F3]  }
0x1dd: {  	[tilespmem:s28], [sflag:$0x2] =	stream.indirect.gather [hbm4b:s4+s7], $0x20, s20, s7, $0xb8;
	[tilespmem:$0x15900] =	vst v63  }
0x1de: {  	s20 =	sld [smem:$0x7F4]  }
0x1df: {  	[tilespmem:s29], [sflag:$0x2] =	stream.indirect.gather [hbm4b:s4+s7], $0x20, s0, s7, $0xb8;
	[tilespmem:$0x15900] =	vst v63  }
0x1e0: {  	_ = 	snop  }
0x1e1: {  	[tilespmem:s30], [sflag:$0x2] =	stream.indirect.gather [hbm4b:s4+s7], $0x20, s20, s7, $0xb8;
	[tilespmem:$0x15900] =	vst v63  }
0x1e2: {  	_ =	swait.ge [sflag:s8], $0x1000  }
0x1e3: {  	[sflag:s8] =	ssyncset.done $0x0  }
0x1e4: {  	[sflag:s8] =	ssyncadd.s32 $0xFFFFF000  }
0x1e5: {  	_ =	swait.ge [sflag:s8], $0x1000  }
0x1e6: {  	[sflag:s8] =	ssyncset.done $0x0  }
0x1e7: {  	[sflag:s8] =	ssyncadd.s32 $0xFFFFF000  }
0x1e8: {  	_ =	swait.ge [sflag:s8], $0x1000  }
0x1e9: {  	[sflag:s8] =	ssyncset.done $0x0  }
0x1ea: {  	[sflag:s8] =	ssyncadd.s32 $0xFFFFF000  }
0x1eb: {  	_ =	swait.ge [sflag:s8], $0x1000  }
0x1ec: {  	[sflag:s8] =	ssyncset.done $0x0  }
0x1ed: {  	[sflag:s8] =	ssyncadd.s32 $0xFFFFF000  }
0x1ee: {  	_ =	swait.ge [sflag:s8], $0x1000  }
0x1ef: {  	[sflag:s8] =	ssyncset.done $0x0  }
0x1f0: {  	[sflag:s8] =	ssyncadd.s32 $0xFFFFF000  }
0x1f1: {  	_ =	swait.ge [sflag:s8], $0x1000  }
0x1f2: {  	[sflag:s8] =	ssyncset.done $0x0  }
0x1f3: {  	[sflag:s8] =	ssyncadd.s32 $0xFFFFF000  }
0x1f4: {  	_ =	swait.ge [sflag:s8], $0x1000  }
0x1f5: {  	[sflag:s8] =	ssyncset.done $0x0  }
0x1f6: {  	[sflag:s8] =	ssyncadd.s32 $0xFFFFF000  }
0x1f7: {  	_ =	swait.ge [sflag:s8], $0x1000  }
0x1f8: {  	[sflag:s8] =	ssyncset.done $0x0  }
0x1f9: {  	[sflag:s8] =	ssyncadd.s32 $0xFFFFF000  }
0x1fa: {  	_ =	swait.ge [sflag:s8], $0x1000  }
0x1fb: {  	[sflag:s8] =	ssyncset.done $0x0  }
0x1fc: {  	[sflag:s8] =	ssyncadd.s32 $0xFFFFF000  }
0x1fd: {  	_ =	swait.ge [sflag:s8], $0x1000  }
0x1fe: {  	[sflag:s8] =	ssyncset.done $0x0  }
0x1ff: {  	s20 =	rddreg [dreg:$0x7];
	[sflag:s8] =	ssyncadd.s32 $0xFFFFF000  }
0x200: {  	[hbm4b:s20+s2] =	stream.linear.scatter [tilespmem:s3], [sflag:$0x3], $0xA000, $0x38;
	[tilespmem:$0x15900] =	vst v63  }
0x201: {  	_ =	swait.ge [sflag:s6], $0xA000  }
0x202: {  	s0 =	sld [smem:$0x7F5]  }
0x203: {  	[sflag:s6] =	ssyncset.done $0x0  }
0x204: {  	s20 =	sld [smem:$0x7F6];
	[sflag:s6] =	ssyncadd.s32 $0xFFFF6000  }
0x205: {  	[tilespmem:s3], [sflag:$0x1] =	stream.indirect.gather [hbm4b:s4+s7], $0x20, s0, s7, $0xb8;
	[tilespmem:$0x15900] =	vst v63  }
0x206: {  	s0 =	sld [smem:$0x7F7]  }
0x207: {  	[tilespmem:s10], [sflag:$0x1] =	stream.indirect.gather [hbm4b:s4+s7], $0x20, s20, s7, $0xb8;
	[tilespmem:$0x15900] =	vst v63  }
0x208: {  	s20 =	sld [smem:$0x7F8]  }
0x209: {  	[tilespmem:s11], [sflag:$0x1] =	stream.indirect.gather [hbm4b:s4+s7], $0x20, s0, s7, $0xb8;
	[tilespmem:$0x15900] =	vst v63  }
0x20a: {  	s0 =	sld [smem:$0x7F9]  }
0x20b: {  	[tilespmem:s12], [sflag:$0x1] =	stream.indirect.gather [hbm4b:s4+s7], $0x20, s20, s7, $0xb8;
	[tilespmem:$0x15900] =	vst v63  }
0x20c: {  	s20 =	sld [smem:$0x7FA]  }
0x20d: {  	[tilespmem:s13], [sflag:$0x1] =	stream.indirect.gather [hbm4b:s4+s7], $0x20, s0, s7, $0xb8;
	[tilespmem:$0x15900] =	vst v63  }
0x20e: {  	s0 =	sld [smem:$0x7FB]  }
0x20f: {  	[tilespmem:s14], [sflag:$0x1] =	stream.indirect.gather [hbm4b:s4+s7], $0x20, s20, s7, $0xb8;
	[tilespmem:$0x15900] =	vst v63  }
0x210: {  	s20 =	sld [smem:$0x7FC]  }
0x211: {  	[tilespmem:s15], [sflag:$0x1] =	stream.indirect.gather [hbm4b:s4+s7], $0x20, s0, s7, $0xb8;
	[tilespmem:$0x15900] =	vst v63  }
0x212: {  	s0 =	sld [smem:$0x7FD]  }
0x213: {  	[tilespmem:s16], [sflag:$0x1] =	stream.indirect.gather [hbm4b:s4+s7], $0x20, s20, s7, $0xb8;
	[tilespmem:$0x15900] =	vst v63  }
0x214: {  	_ = 	snop  }
0x215: {  	[tilespmem:s17], [sflag:$0x1] =	stream.indirect.gather [hbm4b:s4+s7], $0x20, s0, s7, $0xb8;
	[tilespmem:$0x15900] =	vst v63  }
0x216: {  	s20 =	simm.s32 $0x1880  }
0x217: {  	[tilespmem:s18], [sflag:$0x1] =	stream.indirect.gather [hbm4b:s4+s7], $0x20, s20, s7, $0xb8;
	[tilespmem:$0x15900] =	vst v63  }
0x218: {  	_ =	swait.ge [sflag:s19], $0x1000  }
0x219: {  	[sflag:s19] =	ssyncset.done $0x0  }
0x21a: {  	[sflag:s19] =	ssyncadd.s32 $0xFFFFF000  }
0x21b: {  	_ =	swait.ge [sflag:s19], $0x1000  }
0x21c: {  	[sflag:s19] =	ssyncset.done $0x0  }
0x21d: {  	[sflag:s19] =	ssyncadd.s32 $0xFFFFF000  }
0x21e: {  	_ =	swait.ge [sflag:s19], $0x1000  }
0x21f: {  	[sflag:s19] =	ssyncset.done $0x0  }
0x220: {  	[sflag:s19] =	ssyncadd.s32 $0xFFFFF000  }
0x221: {  	_ =	swait.ge [sflag:s19], $0x1000  }
0x222: {  	[sflag:s19] =	ssyncset.done $0x0  }
0x223: {  	[sflag:s19] =	ssyncadd.s32 $0xFFFFF000  }
0x224: {  	_ =	swait.ge [sflag:s19], $0x1000  }
0x225: {  	[sflag:s19] =	ssyncset.done $0x0  }
0x226: {  	[sflag:s19] =	ssyncadd.s32 $0xFFFFF000  }
0x227: {  	_ =	swait.ge [sflag:s19], $0x1000  }
0x228: {  	[sflag:s19] =	ssyncset.done $0x0  }
0x229: {  	[sflag:s19] =	ssyncadd.s32 $0xFFFFF000  }
0x22a: {  	_ =	swait.ge [sflag:s19], $0x1000  }
0x22b: {  	[sflag:s19] =	ssyncset.done $0x0  }
0x22c: {  	[sflag:s19] =	ssyncadd.s32 $0xFFFFF000  }
0x22d: {  	_ =	swait.ge [sflag:s19], $0x1000  }
0x22e: {  	[sflag:s19] =	ssyncset.done $0x0  }
0x22f: {  	[sflag:s19] =	ssyncadd.s32 $0xFFFFF000  }
0x230: {  	_ =	swait.ge [sflag:s19], $0x1000  }
0x231: {  	[sflag:s19] =	ssyncset.done $0x0  }
0x232: {  	[sflag:s19] =	ssyncadd.s32 $0xFFFFF000  }
0x233: {  	_ =	swait.ge [sflag:s19], $0x1000  }
0x234: {  	[sflag:s19] =	ssyncset.done $0x0  }
0x235: {  	s20 =	rddreg [dreg:$0x8];
	[sflag:s19] =	ssyncadd.s32 $0xFFFFF000  }
0x236: {  	[hbm4b:s20+s2] =	stream.linear.scatter [tilespmem:s9], [sflag:$0x4], $0xA000, $0x38;
	[tilespmem:$0x15900] =	vst v63  }
0x237: {  	_ =	swait.ge [sflag:s8], $0x1000  }
0x238: {  	[sflag:s8] =	ssyncset.done $0x0  }
0x239: {  	[sflag:s8] =	ssyncadd.s32 $0xFFFFF000  }
0x23a: {  	_ =	swait.ge [sflag:s8], $0x1000  }
0x23b: {  	[sflag:s8] =	ssyncset.done $0x0  }
0x23c: {  	[sflag:s8] =	ssyncadd.s32 $0xFFFFF000  }
0x23d: {  	_ =	swait.ge [sflag:s8], $0x1000  }
0x23e: {  	[sflag:s8] =	ssyncset.done $0x0  }
0x23f: {  	[sflag:s8] =	ssyncadd.s32 $0xFFFFF000  }
0x240: {  	_ =	swait.ge [sflag:s8], $0x1000  }
0x241: {  	[sflag:s8] =	ssyncset.done $0x0  }
0x242: {  	[sflag:s8] =	ssyncadd.s32 $0xFFFFF000  }
0x243: {  	_ =	swait.ge [sflag:s8], $0x1000  }
0x244: {  	[sflag:s8] =	ssyncset.done $0x0  }
0x245: {  	[sflag:s8] =	ssyncadd.s32 $0xFFFFF000  }
0x246: {  	_ =	swait.ge [sflag:s8], $0x1000  }
0x247: {  	[sflag:s8] =	ssyncset.done $0x0  }
0x248: {  	[sflag:s8] =	ssyncadd.s32 $0xFFFFF000  }
0x249: {  	_ =	swait.ge [sflag:s8], $0x1000  }
0x24a: {  	[sflag:s8] =	ssyncset.done $0x0  }
0x24b: {  	[sflag:s8] =	ssyncadd.s32 $0xFFFFF000  }
0x24c: {  	_ =	swait.ge [sflag:s8], $0x1000  }
0x24d: {  	[sflag:s8] =	ssyncset.done $0x0  }
0x24e: {  	[sflag:s8] =	ssyncadd.s32 $0xFFFFF000  }
0x24f: {  	_ =	swait.ge [sflag:s8], $0x1000  }
0x250: {  	[sflag:s8] =	ssyncset.done $0x0  }
0x251: {  	[sflag:s8] =	ssyncadd.s32 $0xFFFFF000  }
0x252: {  	_ =	swait.ge [sflag:s8], $0x1000  }
0x253: {  	[sflag:s8] =	ssyncset.done $0x0  }
0x254: {  	p1 =	sne.s32 s1, $0x1;
	s20 =	rddreg [dreg:$0x9];
	[sflag:s8] =	ssyncadd.s32 $0xFFFFF000  }
0x255: {  	[hbm4b:s20+s2] =	stream.linear.scatter [tilespmem:s3], [sflag:$0x3], $0xA000, $0x38;
	[tilespmem:$0x15900] =	vst v63  }
.Ltmp2:
0x256: {  	_ =	swait.ge [sflag:s6], $0xA000;
	(pc) =	sbr.rel @p1 .LBB2_3-.Ltmp2, $4  }
0x257: {  	[sflag:s6] =	ssyncset.done $0x0  }
0x258: {  	[sflag:s6] =	ssyncadd.s32 $0xFFFF6000  }
0x259: {  	_ =	swait.ge [sflag:s5], $0xA000  }
0x25a: {  	s1 =	sadd.s32 $0xFFFFFFFF, s1;
	s0 =	rddreg [dreg:$0x4];
	[sflag:s5] =	ssyncset.done $0x0  }
0x25b: {  	s20 =	stileid.u32  }
.LBB2_5:
0x25c: {  	[sflag:s5] =	ssyncadd.s32 @p0 $0xFFFF6000  }
0x25d: {  	[tilespmem:s2], [sflag:$0x5] =	stream.linear.gather [hbm4b:s0+s2], $0x1900, $0x38;
	[tilespmem:$0x15900] =	vst v63  }
0x25e: {  	_ =	swait.ge [sflag:s31], $0x1900  }
0x25f: {  	[sflag:s31] =	ssyncset.done $0x0  }
0x260: {  	[sflag:s31] =	ssyncadd.s32 $0xFFFFE700  }
0x261: {  	[tilespmem:s3], [sflag:$0x1] =	stream.indirect.gather [hbm4b:s4+s7], $0x20, s2, s7, $0xb8;
	[tilespmem:$0x15900] =	vst v63  }
0x262: {  	_ = 	snop  }
0x263: {  	[tilespmem:s10], [sflag:$0x1] =	stream.indirect.gather [hbm4b:s4+s7], $0x20, s7, s7, $0xb8;
	[tilespmem:$0x15900] =	vst v63  }
0x264: {  	s31 =	rddreg [dreg:$0xa]  }
0x265: {  	[tilespmem:s11], [sflag:$0x1] =	stream.indirect.gather [hbm4b:s4+s7], $0x20, s31, s7, $0xb8;
	[tilespmem:$0x15900] =	vst v63  }
0x266: {  	s1 =	rddreg [dreg:$0xb]  }
0x267: {  	[tilespmem:s12], [sflag:$0x1] =	stream.indirect.gather [hbm4b:s4+s7], $0x20, s1, s7, $0xb8;
	[tilespmem:$0x15900] =	vst v63  }
0x268: {  	s0 =	rddreg [dreg:$0xc]  }
0x269: {  	[tilespmem:s13], [sflag:$0x1] =	stream.indirect.gather [hbm4b:s4+s7], $0x20, s0, s7, $0xb8;
	[tilespmem:$0x15900] =	vst v63  }
0x26a: {  	s31 =	rddreg [dreg:$0xd]  }
0x26b: {  	[tilespmem:s14], [sflag:$0x1] =	stream.indirect.gather [hbm4b:s4+s7], $0x20, s31, s7, $0xb8;
	[tilespmem:$0x15900] =	vst v63  }
0x26c: {  	s0 =	rddreg [dreg:$0xe]  }
0x26d: {  	[tilespmem:s15], [sflag:$0x1] =	stream.indirect.gather [hbm4b:s4+s7], $0x20, s0, s7, $0xb8;
	[tilespmem:$0x15900] =	vst v63  }
0x26e: {  	s31 =	rddreg [dreg:$0xf]  }
0x26f: {  	[tilespmem:s16], [sflag:$0x1] =	stream.indirect.gather [hbm4b:s4+s7], $0x20, s31, s7, $0xb8;
	[tilespmem:$0x15900] =	vst v63  }
0x270: {  	s0 =	rddreg [dreg:$0x10]  }
0x271: {  	[tilespmem:s17], [sflag:$0x1] =	stream.indirect.gather [hbm4b:s4+s7], $0x20, s0, s7, $0xb8;
	[tilespmem:$0x15900] =	vst v63  }
0x272: {  	s31 =	rddreg [dreg:$0x11]  }
0x273: {  	[tilespmem:s18], [sflag:$0x1] =	stream.indirect.gather [hbm4b:s4+s7], $0x20, s31, s7, $0xb8;
	[tilespmem:$0x15900] =	vst v63  }
0x274: {  	s0 =	rddreg [dreg:$0x12]  }
0x275: {  	[tilespmem:s9], [sflag:$0x2] =	stream.indirect.gather [hbm4b:s4+s7], $0x20, s0, s7, $0xb8;
	[tilespmem:$0x15900] =	vst v63  }
0x276: {  	s31 =	rddreg [dreg:$0x13]  }
0x277: {  	[tilespmem:s21], [sflag:$0x2] =	stream.indirect.gather [hbm4b:s4+s7], $0x20, s31, s7, $0xb8;
	[tilespmem:$0x15900] =	vst v63  }
0x278: {  	s0 =	rddreg [dreg:$0x14]  }
0x279: {  	[tilespmem:s22], [sflag:$0x2] =	stream.indirect.gather [hbm4b:s4+s7], $0x20, s0, s7, $0xb8;
	[tilespmem:$0x15900] =	vst v63  }
0x27a: {  	s31 =	rddreg [dreg:$0x15]  }
0x27b: {  	[tilespmem:s23], [sflag:$0x2] =	stream.indirect.gather [hbm4b:s4+s7], $0x20, s31, s7, $0xb8;
	[tilespmem:$0x15900] =	vst v63  }
0x27c: {  	s0 =	rddreg [dreg:$0x16]  }
0x27d: {  	[tilespmem:s24], [sflag:$0x2] =	stream.indirect.gather [hbm4b:s4+s7], $0x20, s0, s7, $0xb8;
	[tilespmem:$0x15900] =	vst v63  }
0x27e: {  	s31 =	rddreg [dreg:$0x17]  }
0x27f: {  	[tilespmem:s25], [sflag:$0x2] =	stream.indirect.gather [hbm4b:s4+s7], $0x20, s31, s7, $0xb8;
	[tilespmem:$0x15900] =	vst v63  }
0x280: {  	s0 =	rddreg [dreg:$0x18]  }
0x281: {  	[tilespmem:s26], [sflag:$0x2] =	stream.indirect.gather [hbm4b:s4+s7], $0x20, s0, s7, $0xb8;
	[tilespmem:$0x15900] =	vst v63  }
0x282: {  	s31 =	rddreg [dreg:$0x19]  }
0x283: {  	[tilespmem:s28], [sflag:$0x2] =	stream.indirect.gather [hbm4b:s4+s7], $0x20, s31, s7, $0xb8;
	[tilespmem:$0x15900] =	vst v63  }
0x284: {  	s0 =	rddreg [dreg:$0x1a]  }
0x285: {  	[tilespmem:s29], [sflag:$0x2] =	stream.indirect.gather [hbm4b:s4+s7], $0x20, s0, s7, $0xb8;
	[tilespmem:$0x15900] =	vst v63  }
0x286: {  	s31 =	rddreg [dreg:$0x1b]  }
0x287: {  	[tilespmem:s30], [sflag:$0x2] =	stream.indirect.gather [hbm4b:s4+s7], $0x20, s31, s7, $0xb8;
	[tilespmem:$0x15900] =	vst v63  }
0x288: {  	_ =	swait.ge [sflag:s8], $0x1000  }
0x289: {  	[sflag:s8] =	ssyncset.done $0x0  }
0x28a: {  	[sflag:s8] =	ssyncadd.s32 $0xFFFFF000  }
0x28b: {  	_ =	swait.ge [sflag:s8], $0x1000  }
0x28c: {  	[sflag:s8] =	ssyncset.done $0x0  }
0x28d: {  	[sflag:s8] =	ssyncadd.s32 $0xFFFFF000  }
0x28e: {  	_ =	swait.ge [sflag:s8], $0x1000  }
0x28f: {  	[sflag:s8] =	ssyncset.done $0x0  }
0x290: {  	[sflag:s8] =	ssyncadd.s32 $0xFFFFF000  }
0x291: {  	_ =	swait.ge [sflag:s8], $0x1000  }
0x292: {  	[sflag:s8] =	ssyncset.done $0x0  }
0x293: {  	[sflag:s8] =	ssyncadd.s32 $0xFFFFF000  }
0x294: {  	_ =	swait.ge [sflag:s8], $0x1000  }
0x295: {  	[sflag:s8] =	ssyncset.done $0x0  }
0x296: {  	[sflag:s8] =	ssyncadd.s32 $0xFFFFF000  }
0x297: {  	_ =	swait.ge [sflag:s8], $0x1000  }
0x298: {  	[sflag:s8] =	ssyncset.done $0x0  }
0x299: {  	[sflag:s8] =	ssyncadd.s32 $0xFFFFF000  }
0x29a: {  	_ =	swait.ge [sflag:s8], $0x1000  }
0x29b: {  	[sflag:s8] =	ssyncset.done $0x0  }
0x29c: {  	[sflag:s8] =	ssyncadd.s32 $0xFFFFF000  }
0x29d: {  	_ =	swait.ge [sflag:s8], $0x1000  }
0x29e: {  	[sflag:s8] =	ssyncset.done $0x0  }
0x29f: {  	[sflag:s8] =	ssyncadd.s32 $0xFFFFF000  }
0x2a0: {  	_ =	swait.ge [sflag:s8], $0x1000  }
0x2a1: {  	[sflag:s8] =	ssyncset.done $0x0  }
0x2a2: {  	[sflag:s8] =	ssyncadd.s32 $0xFFFFF000  }
0x2a3: {  	_ =	swait.ge [sflag:s8], $0x1000  }
0x2a4: {  	[sflag:s8] =	ssyncset.done $0x0  }
0x2a5: {  	s31 =	rddreg [dreg:$0x5];
	[sflag:s8] =	ssyncadd.s32 $0xFFFFF000  }
0x2a6: {  	[hbm4b:s31+s2] =	stream.linear.scatter [tilespmem:s3], [sflag:$0x3], $0xA000, $0x38;
	[tilespmem:$0x15900] =	vst v63  }
0x2a7: {  	_ =	swait.ge [sflag:s6], $0xA000  }
0x2a8: {  	s1 =	rddreg [dreg:$0x1c];
	[sflag:s6] =	ssyncset.done $0x0  }
0x2a9: {  	s31 =	rddreg [dreg:$0x1d];
	[sflag:s6] =	ssyncadd.s32 $0xFFFF6000  }
0x2aa: {  	[tilespmem:s3], [sflag:$0x1] =	stream.indirect.gather [hbm4b:s4+s7], $0x20, s1, s7, $0xb8;
	[tilespmem:$0x15900] =	vst v63  }
0x2ab: {  	s0 =	rddreg [dreg:$0x1e]  }
0x2ac: {  	[tilespmem:s10], [sflag:$0x1] =	stream.indirect.gather [hbm4b:s4+s7], $0x20, s31, s7, $0xb8;
	[tilespmem:$0x15900] =	vst v63  }
0x2ad: {  	s31 =	rddreg [dreg:$0x1f]  }
0x2ae: {  	[tilespmem:s11], [sflag:$0x1] =	stream.indirect.gather [hbm4b:s4+s7], $0x20, s0, s7, $0xb8;
	[tilespmem:$0x15900] =	vst v63  }
0x2af: {  	s0 =	sld [smem:$0x7E5]  }
0x2b0: {  	[tilespmem:s12], [sflag:$0x1] =	stream.indirect.gather [hbm4b:s4+s7], $0x20, s31, s7, $0xb8;
	[tilespmem:$0x15900] =	vst v63  }
0x2b1: {  	s31 =	sld [smem:$0x7E6]  }
0x2b2: {  	[tilespmem:s13], [sflag:$0x1] =	stream.indirect.gather [hbm4b:s4+s7], $0x20, s0, s7, $0xb8;
	[tilespmem:$0x15900] =	vst v63  }
0x2b3: {  	s0 =	sld [smem:$0x7E7]  }
0x2b4: {  	[tilespmem:s14], [sflag:$0x1] =	stream.indirect.gather [hbm4b:s4+s7], $0x20, s31, s7, $0xb8;
	[tilespmem:$0x15900] =	vst v63  }
0x2b5: {  	s31 =	sld [smem:$0x7E8]  }
0x2b6: {  	[tilespmem:s15], [sflag:$0x1] =	stream.indirect.gather [hbm4b:s4+s7], $0x20, s0, s7, $0xb8;
	[tilespmem:$0x15900] =	vst v63  }
0x2b7: {  	s0 =	sld [smem:$0x7E9]  }
0x2b8: {  	[tilespmem:s16], [sflag:$0x1] =	stream.indirect.gather [hbm4b:s4+s7], $0x20, s31, s7, $0xb8;
	[tilespmem:$0x15900] =	vst v63  }
0x2b9: {  	s31 =	sld [smem:$0x7EA]  }
0x2ba: {  	[tilespmem:s17], [sflag:$0x1] =	stream.indirect.gather [hbm4b:s4+s7], $0x20, s0, s7, $0xb8;
	[tilespmem:$0x15900] =	vst v63  }
0x2bb: {  	_ = 	snop  }
0x2bc: {  	[tilespmem:s18], [sflag:$0x1] =	stream.indirect.gather [hbm4b:s4+s7], $0x20, s31, s7, $0xb8;
	[tilespmem:$0x15900] =	vst v63  }
0x2bd: {  	_ =	swait.ge [sflag:s19], $0x1000  }
0x2be: {  	[sflag:s19] =	ssyncset.done $0x0  }
0x2bf: {  	[sflag:s19] =	ssyncadd.s32 $0xFFFFF000  }
0x2c0: {  	_ =	swait.ge [sflag:s19], $0x1000  }
0x2c1: {  	[sflag:s19] =	ssyncset.done $0x0  }
0x2c2: {  	[sflag:s19] =	ssyncadd.s32 $0xFFFFF000  }
0x2c3: {  	_ =	swait.ge [sflag:s19], $0x1000  }
0x2c4: {  	[sflag:s19] =	ssyncset.done $0x0  }
0x2c5: {  	[sflag:s19] =	ssyncadd.s32 $0xFFFFF000  }
0x2c6: {  	_ =	swait.ge [sflag:s19], $0x1000  }
0x2c7: {  	[sflag:s19] =	ssyncset.done $0x0  }
0x2c8: {  	[sflag:s19] =	ssyncadd.s32 $0xFFFFF000  }
0x2c9: {  	_ =	swait.ge [sflag:s19], $0x1000  }
0x2ca: {  	[sflag:s19] =	ssyncset.done $0x0  }
0x2cb: {  	[sflag:s19] =	ssyncadd.s32 $0xFFFFF000  }
0x2cc: {  	_ =	swait.ge [sflag:s19], $0x1000  }
0x2cd: {  	[sflag:s19] =	ssyncset.done $0x0  }
0x2ce: {  	[sflag:s19] =	ssyncadd.s32 $0xFFFFF000  }
0x2cf: {  	_ =	swait.ge [sflag:s19], $0x1000  }
0x2d0: {  	[sflag:s19] =	ssyncset.done $0x0  }
0x2d1: {  	[sflag:s19] =	ssyncadd.s32 $0xFFFFF000  }
0x2d2: {  	_ =	swait.ge [sflag:s19], $0x1000  }
0x2d3: {  	[sflag:s19] =	ssyncset.done $0x0  }
0x2d4: {  	[sflag:s19] =	ssyncadd.s32 $0xFFFFF000  }
0x2d5: {  	_ =	swait.ge [sflag:s19], $0x1000  }
0x2d6: {  	[sflag:s19] =	ssyncset.done $0x0  }
0x2d7: {  	[sflag:s19] =	ssyncadd.s32 $0xFFFFF000  }
0x2d8: {  	_ =	swait.ge [sflag:s19], $0x1000  }
0x2d9: {  	[sflag:s19] =	ssyncset.done $0x0  }
0x2da: {  	s1 =	rddreg [dreg:$0x6];
	[sflag:s19] =	ssyncadd.s32 $0xFFFFF000  }
0x2db: {  	[hbm4b:s1+s2] =	stream.linear.scatter [tilespmem:s9], [sflag:$0x4], $0xA000, $0x38;
	[tilespmem:$0x15900] =	vst v63  }
0x2dc: {  	_ =	swait.ge [sflag:s5], $0xA000  }
0x2dd: {  	s31 =	sld [smem:$0x7EB]  }
0x2de: {  	[sflag:s5] =	ssyncset.done $0x0  }
0x2df: {  	s1 =	sld [smem:$0x7EC];
	[sflag:s5] =	ssyncadd.s32 $0xFFFF6000  }
0x2e0: {  	[tilespmem:s9], [sflag:$0x2] =	stream.indirect.gather [hbm4b:s4+s7], $0x20, s31, s7, $0xb8;
	[tilespmem:$0x15900] =	vst v63  }
0x2e1: {  	s31 =	sld [smem:$0x7ED]  }
0x2e2: {  	[tilespmem:s21], [sflag:$0x2] =	stream.indirect.gather [hbm4b:s4+s7], $0x20, s1, s7, $0xb8;
	[tilespmem:$0x15900] =	vst v63  }
0x2e3: {  	s21 =	sld [smem:$0x7EE]  }
0x2e4: {  	[tilespmem:s22], [sflag:$0x2] =	stream.indirect.gather [hbm4b:s4+s7], $0x20, s31, s7, $0xb8;
	[tilespmem:$0x15900] =	vst v63  }
0x2e5: {  	s22 =	sld [smem:$0x7EF]  }
0x2e6: {  	[tilespmem:s23], [sflag:$0x2] =	stream.indirect.gather [hbm4b:s4+s7], $0x20, s21, s7, $0xb8;
	[tilespmem:$0x15900] =	vst v63  }
0x2e7: {  	s23 =	sld [smem:$0x7F0]  }
0x2e8: {  	[tilespmem:s24], [sflag:$0x2] =	stream.indirect.gather [hbm4b:s4+s7], $0x20, s22, s7, $0xb8;
	[tilespmem:$0x15900] =	vst v63  }
0x2e9: {  	s24 =	sld [smem:$0x7F1]  }
0x2ea: {  	[tilespmem:s25], [sflag:$0x2] =	stream.indirect.gather [hbm4b:s4+s7], $0x20, s23, s7, $0xb8;
	[tilespmem:$0x15900] =	vst v63  }
0x2eb: {  	s25 =	sld [smem:$0x7F2]  }
0x2ec: {  	[tilespmem:s26], [sflag:$0x2] =	stream.indirect.gather [hbm4b:s4+s7], $0x20, s24, s7, $0xb8;
	[tilespmem:$0x15900] =	vst v63  }
0x2ed: {  	s26 =	sld [smem:$0x7F3]  }
0x2ee: {  	[tilespmem:s28], [sflag:$0x2] =	stream.indirect.gather [hbm4b:s4+s7], $0x20, s25, s7, $0xb8;
	[tilespmem:$0x15900] =	vst v63  }
0x2ef: {  	s28 =	sld [smem:$0x7F4]  }
0x2f0: {  	[tilespmem:s29], [sflag:$0x2] =	stream.indirect.gather [hbm4b:s4+s7], $0x20, s26, s7, $0xb8;
	[tilespmem:$0x15900] =	vst v63  }
0x2f1: {  	_ = 	snop  }
0x2f2: {  	[tilespmem:s30], [sflag:$0x2] =	stream.indirect.gather [hbm4b:s4+s7], $0x20, s28, s7, $0xb8;
	[tilespmem:$0x15900] =	vst v63  }
0x2f3: {  	_ =	swait.ge [sflag:s8], $0x1000  }
0x2f4: {  	[sflag:s8] =	ssyncset.done $0x0  }
0x2f5: {  	[sflag:s8] =	ssyncadd.s32 $0xFFFFF000  }
0x2f6: {  	_ =	swait.ge [sflag:s8], $0x1000  }
0x2f7: {  	[sflag:s8] =	ssyncset.done $0x0  }
0x2f8: {  	[sflag:s8] =	ssyncadd.s32 $0xFFFFF000  }
0x2f9: {  	_ =	swait.ge [sflag:s8], $0x1000  }
0x2fa: {  	[sflag:s8] =	ssyncset.done $0x0  }
0x2fb: {  	[sflag:s8] =	ssyncadd.s32 $0xFFFFF000  }
0x2fc: {  	_ =	swait.ge [sflag:s8], $0x1000  }
0x2fd: {  	[sflag:s8] =	ssyncset.done $0x0  }
0x2fe: {  	[sflag:s8] =	ssyncadd.s32 $0xFFFFF000  }
0x2ff: {  	_ =	swait.ge [sflag:s8], $0x1000  }
0x300: {  	[sflag:s8] =	ssyncset.done $0x0  }
0x301: {  	[sflag:s8] =	ssyncadd.s32 $0xFFFFF000  }
0x302: {  	_ =	swait.ge [sflag:s8], $0x1000  }
0x303: {  	[sflag:s8] =	ssyncset.done $0x0  }
0x304: {  	[sflag:s8] =	ssyncadd.s32 $0xFFFFF000  }
0x305: {  	_ =	swait.ge [sflag:s8], $0x1000  }
0x306: {  	[sflag:s8] =	ssyncset.done $0x0  }
0x307: {  	[sflag:s8] =	ssyncadd.s32 $0xFFFFF000  }
0x308: {  	_ =	swait.ge [sflag:s8], $0x1000  }
0x309: {  	[sflag:s8] =	ssyncset.done $0x0  }
0x30a: {  	[sflag:s8] =	ssyncadd.s32 $0xFFFFF000  }
0x30b: {  	_ =	swait.ge [sflag:s8], $0x1000  }
0x30c: {  	[sflag:s8] =	ssyncset.done $0x0  }
0x30d: {  	[sflag:s8] =	ssyncadd.s32 $0xFFFFF000  }
0x30e: {  	_ =	swait.ge [sflag:s8], $0x1000  }
0x30f: {  	[sflag:s8] =	ssyncset.done $0x0  }
0x310: {  	s29 =	rddreg [dreg:$0x7];
	[sflag:s8] =	ssyncadd.s32 $0xFFFFF000  }
0x311: {  	[hbm4b:s29+s2] =	stream.linear.scatter [tilespmem:s3], [sflag:$0x3], $0xA000, $0x38;
	[tilespmem:$0x15900] =	vst v63  }
0x312: {  	_ =	swait.ge [sflag:s6], $0xA000  }
0x313: {  	s30 =	sld [smem:$0x7F5]  }
0x314: {  	[sflag:s6] =	ssyncset.done $0x0  }
0x315: {  	s31 =	sld [smem:$0x7F6];
	[sflag:s6] =	ssyncadd.s32 $0xFFFF6000  }
0x316: {  	[tilespmem:s3], [sflag:$0x1] =	stream.indirect.gather [hbm4b:s4+s7], $0x20, s30, s7, $0xb8;
	[tilespmem:$0x15900] =	vst v63  }
0x317: {  	s21 =	sld [smem:$0x7F7]  }
0x318: {  	[tilespmem:s10], [sflag:$0x1] =	stream.indirect.gather [hbm4b:s4+s7], $0x20, s31, s7, $0xb8;
	[tilespmem:$0x15900] =	vst v63  }
0x319: {  	s22 =	sld [smem:$0x7F8]  }
0x31a: {  	[tilespmem:s11], [sflag:$0x1] =	stream.indirect.gather [hbm4b:s4+s7], $0x20, s21, s7, $0xb8;
	[tilespmem:$0x15900] =	vst v63  }
0x31b: {  	s23 =	sld [smem:$0x7F9]  }
0x31c: {  	[tilespmem:s12], [sflag:$0x1] =	stream.indirect.gather [hbm4b:s4+s7], $0x20, s22, s7, $0xb8;
	[tilespmem:$0x15900] =	vst v63  }
0x31d: {  	s24 =	sld [smem:$0x7FA]  }
0x31e: {  	[tilespmem:s13], [sflag:$0x1] =	stream.indirect.gather [hbm4b:s4+s7], $0x20, s23, s7, $0xb8;
	[tilespmem:$0x15900] =	vst v63  }
0x31f: {  	s25 =	sld [smem:$0x7FB]  }
0x320: {  	[tilespmem:s14], [sflag:$0x1] =	stream.indirect.gather [hbm4b:s4+s7], $0x20, s24, s7, $0xb8;
	[tilespmem:$0x15900] =	vst v63  }
0x321: {  	s26 =	sld [smem:$0x7FC]  }
0x322: {  	[tilespmem:s15], [sflag:$0x1] =	stream.indirect.gather [hbm4b:s4+s7], $0x20, s25, s7, $0xb8;
	[tilespmem:$0x15900] =	vst v63  }
0x323: {  	s28 =	sld [smem:$0x7FD]  }
0x324: {  	[tilespmem:s16], [sflag:$0x1] =	stream.indirect.gather [hbm4b:s4+s7], $0x20, s26, s7, $0xb8;
	[tilespmem:$0x15900] =	vst v63  }
0x325: {  	_ = 	snop  }
0x326: {  	[tilespmem:s17], [sflag:$0x1] =	stream.indirect.gather [hbm4b:s4+s7], $0x20, s28, s7, $0xb8;
	[tilespmem:$0x15900] =	vst v63  }
0x327: {  	s29 =	simm.s32 $0x1880  }
0x328: {  	[tilespmem:s18], [sflag:$0x1] =	stream.indirect.gather [hbm4b:s4+s7], $0x20, s29, s7, $0xb8;
	[tilespmem:$0x15900] =	vst v63  }
0x329: {  	_ =	swait.ge [sflag:s19], $0x1000  }
0x32a: {  	[sflag:s19] =	ssyncset.done $0x0  }
0x32b: {  	[sflag:s19] =	ssyncadd.s32 $0xFFFFF000  }
0x32c: {  	_ =	swait.ge [sflag:s19], $0x1000  }
0x32d: {  	[sflag:s19] =	ssyncset.done $0x0  }
0x32e: {  	[sflag:s19] =	ssyncadd.s32 $0xFFFFF000  }
0x32f: {  	_ =	swait.ge [sflag:s19], $0x1000  }
0x330: {  	[sflag:s19] =	ssyncset.done $0x0  }
0x331: {  	[sflag:s19] =	ssyncadd.s32 $0xFFFFF000  }
0x332: {  	_ =	swait.ge [sflag:s19], $0x1000  }
0x333: {  	[sflag:s19] =	ssyncset.done $0x0  }
0x334: {  	[sflag:s19] =	ssyncadd.s32 $0xFFFFF000  }
0x335: {  	_ =	swait.ge [sflag:s19], $0x1000  }
0x336: {  	[sflag:s19] =	ssyncset.done $0x0  }
0x337: {  	[sflag:s19] =	ssyncadd.s32 $0xFFFFF000  }
0x338: {  	_ =	swait.ge [sflag:s19], $0x1000  }
0x339: {  	[sflag:s19] =	ssyncset.done $0x0  }
0x33a: {  	[sflag:s19] =	ssyncadd.s32 $0xFFFFF000  }
0x33b: {  	_ =	swait.ge [sflag:s19], $0x1000  }
0x33c: {  	[sflag:s19] =	ssyncset.done $0x0  }
0x33d: {  	[sflag:s19] =	ssyncadd.s32 $0xFFFFF000  }
0x33e: {  	_ =	swait.ge [sflag:s19], $0x1000  }
0x33f: {  	[sflag:s19] =	ssyncset.done $0x0  }
0x340: {  	[sflag:s19] =	ssyncadd.s32 $0xFFFFF000  }
0x341: {  	_ =	swait.ge [sflag:s19], $0x1000  }
0x342: {  	[sflag:s19] =	ssyncset.done $0x0  }
0x343: {  	[sflag:s19] =	ssyncadd.s32 $0xFFFFF000  }
0x344: {  	_ =	swait.ge [sflag:s19], $0x1000  }
0x345: {  	[sflag:s19] =	ssyncset.done $0x0  }
0x346: {  	s30 =	rddreg [dreg:$0x8];
	[sflag:s19] =	ssyncadd.s32 $0xFFFFF000  }
0x347: {  	[hbm4b:s30+s2] =	stream.linear.scatter [tilespmem:s9], [sflag:$0x4], $0xA000, $0x38;
	[tilespmem:$0x15900] =	vst v63  }
0x348: {  	_ =	swait.ge [sflag:s8], $0x1000  }
0x349: {  	[sflag:s8] =	ssyncset.done $0x0  }
0x34a: {  	[sflag:s8] =	ssyncadd.s32 $0xFFFFF000  }
0x34b: {  	_ =	swait.ge [sflag:s8], $0x1000  }
0x34c: {  	[sflag:s8] =	ssyncset.done $0x0  }
0x34d: {  	[sflag:s8] =	ssyncadd.s32 $0xFFFFF000  }
0x34e: {  	_ =	swait.ge [sflag:s8], $0x1000  }
0x34f: {  	[sflag:s8] =	ssyncset.done $0x0  }
0x350: {  	[sflag:s8] =	ssyncadd.s32 $0xFFFFF000  }
0x351: {  	_ =	swait.ge [sflag:s8], $0x1000  }
0x352: {  	[sflag:s8] =	ssyncset.done $0x0  }
0x353: {  	[sflag:s8] =	ssyncadd.s32 $0xFFFFF000  }
0x354: {  	_ =	swait.ge [sflag:s8], $0x1000  }
0x355: {  	[sflag:s8] =	ssyncset.done $0x0  }
0x356: {  	[sflag:s8] =	ssyncadd.s32 $0xFFFFF000  }
0x357: {  	_ =	swait.ge [sflag:s8], $0x1000  }
0x358: {  	[sflag:s8] =	ssyncset.done $0x0  }
0x359: {  	[sflag:s8] =	ssyncadd.s32 $0xFFFFF000  }
0x35a: {  	_ =	swait.ge [sflag:s8], $0x1000  }
0x35b: {  	[sflag:s8] =	ssyncset.done $0x0  }
0x35c: {  	[sflag:s8] =	ssyncadd.s32 $0xFFFFF000  }
0x35d: {  	_ =	swait.ge [sflag:s8], $0x1000  }
0x35e: {  	[sflag:s8] =	ssyncset.done $0x0  }
0x35f: {  	[sflag:s8] =	ssyncadd.s32 $0xFFFFF000  }
0x360: {  	_ =	swait.ge [sflag:s8], $0x1000  }
0x361: {  	[sflag:s8] =	ssyncset.done $0x0  }
0x362: {  	[sflag:s8] =	ssyncadd.s32 $0xFFFFF000  }
0x363: {  	_ =	swait.ge [sflag:s8], $0x1000  }
0x364: {  	[sflag:s8] =	ssyncset.done $0x0  }
0x365: {  	s31 =	rddreg [dreg:$0x9];
	[sflag:s8] =	ssyncadd.s32 $0xFFFFF000  }
0x366: {  	[hbm4b:s31+s2] =	stream.linear.scatter [tilespmem:s3], [sflag:$0x3], $0xA000, $0x38;
	[tilespmem:$0x15900] =	vst v63  }
0x367: {  	_ =	swait.ge [sflag:s6], $0xA000  }
0x368: {  	[sflag:s6] =	ssyncset.done $0x0  }
0x369: {  	[sflag:s6] =	ssyncadd.s32 $0xFFFF6000  }
0x36a: {  	_ =	swait.ge [sflag:s5], $0xA000  }
0x36b: {  	[sflag:s5] =	ssyncset.done $0x0  }
0x36c: {  	[sflag:s5] =	ssyncadd.s32 $0xFFFF6000  }
0x36d: {  	_ =	sfence.sel $0x180000  }
0x36e: {  	[bflag:$0x0] =	sbarrier.arrive $0xFFFF  }
0x36f: {  	_ =	strace $0x90000047  }
0x370: {  	[bflag:$0x2] =	sbarrier.arrive $0xFFFF  }
0x371: {  	p0 =	sne.s32 s20, $0x0;
	s0 =	rddreg [dreg:$0x3]  }
0x372: {  	s0 =	sadd.s32 @!p0 $0x100000, s0  }
0x373: {  	[sflag:s0] =	ssyncadd.tile.s32 @!p0 $0x1;
	_ =	shalt  }
.LBB2_2:
.Ltmp3:
0x374: {  	(pc) =	sbr.rel .LBB2_5-.Ltmp3, $2  }
0x375: {  	_ =	sdelay $0x2  }
0x376: {  	s20 =	stileid.u32  }
.Lfunc_end2:
_tile_overlayer_lowered:
.L_overlay_start_2:
0x377: {  	(tag) =	ssettag $0x2  }
0x378: {  	s0 =	rddreg [dreg:$0x0];
	s2 =	stileid.u32  }
0x379: {  	s1 =	rddreg [dreg:$0x1];
	p0 =	sne.s32 s2, $0x0  }
0x37a: {  	s3 =	rddreg [dreg:$0x2];
	[bflag:$0x3] =	sbarrier.arrive $0xFFFF;
	s2 =	simm.s32 @!p0 $0x1C05  }
0x37b: {  	[timem:s3], [sflag:s2] =	dma.local @!p0 [hbm:s0], s1  }
0x37c: {  	s0 =	simm.s32 @!p0 $0x5  }
0x37d: {  	_ =	swait.ge @!p0 [sflag:s0], s1  }
0x37e: {  	s1 =	ssub.s32 @!p0 $0x0, s1;
	[sflag:s0] =	ssyncset.done @!p0 $0x0  }
0x37f: {  	[sflag:s0] =	ssyncadd.s32 @!p0 s1  }
0x380: {  	[bflag:$0x3] =	sbarrier.arrive $0xFFFF  }
0x381: {  	_ =	shalt  }

</sc_bundles>
